<compile_context>
chip_gen: v7x
topology: tpu7x:2x2x1
jax: 0.10.2.dev20260603
libtpu: 0.0.44.dev20260713+nightly
codegen_flags: <defaults>
</compile_context>

<pallas_src>
import functools

import jax
import jax.numpy as jnp
from jax import lax
from jax.experimental import pallas as pl
from jax.experimental.pallas import tpu as pltpu
from jax.experimental.pallas import tpu_sc as plsc

F = 256
N0 = 10000
E = 160000
NC, NS = 2, 16
H0 = N0 // 2

P1, P2, P3 = 5120, 2560, 1280
A1_SZ, A2_SZ, A3_SZ = P1 * P1, P2 * P2, P3 * P3

CH = 80
EPT = E // NS
NCHUNK = EPT // CH
ZCH = 16384

_mesh = plsc.VectorSubcoreMesh(core_axis_name="c", subcore_axis_name="s")




OWN = 320
NW = NC * NS
NP0 = NW * OWN
ACCR = OWN + 8
CH2 = 4000
NCH2 = E // CH2
FB = 64
STG = 5760
_NLP = pltpu.CompilerParams(needs_layout_passes=False)


def _sc_part_body(src_hbm, dst_hbm, pk_hbm, cnt_hbm,
                  s0, d0, s1, d1, stg, cntv, sem0, sem1):
    c = lax.axis_index("c")
    s = lax.axis_index("s")
    w = c * NS + s
    base = w * OWN

    def fire(i, sv, dv, sem):
        pltpu.async_copy(src_hbm.at[pl.ds(i * CH2, CH2)], sv, sem)
        pltpu.async_copy(dst_hbm.at[pl.ds(i * CH2, CH2)], dv, sem)

    def wait2(sv, sem):
        pltpu.make_async_copy(src_hbm.at[pl.ds(0, CH2)], sv, sem).wait()
        pltpu.make_async_copy(src_hbm.at[pl.ds(0, CH2)], sv, sem).wait()

    def process(srcv, dstv, cur):
        def grp(j, cur):
            sl = pl.ds(j * 16, 16)
            dv = dstv[sl]
            sv = srcv[sl]
            dloc = dv - base
            m = (dloc >= 0) & (dloc < OWN)
            key = jnp.where(m, 0, 1).astype(jnp.int32)
            packed = sv * 512 + jnp.where(m, dloc, OWN)
            _, pv = plsc.sort_key_val(key, packed)
            stg[pl.ds(cur, 16)] = pv
            return cur + jnp.sum(m.astype(jnp.int32))
        return lax.fori_loop(0, CH2 // 16, grp, cur)

    fire(0, s0, d0, sem0)
    fire(1, s1, d1, sem1)

    def pair(fp, cur):
        i0 = 2 * fp
        wait2(s0, sem0)
        cur = process(s0, d0, cur)

        @pl.when(i0 + 2 < NCH2)
        def _f0():
            fire(i0 + 2, s0, d0, sem0)
        wait2(s1, sem1)
        cur = process(s1, d1, cur)

        @pl.when(i0 + 3 < NCH2)
        def _f1():
            fire(i0 + 3, s1, d1, sem1)
        return cur

    cur = lax.fori_loop(0, NCH2 // 2, pair, 0)

    for t in range(FB // 16):
        stg[pl.ds(cur + t * 16, 16)] = jnp.full((16,), OWN, jnp.int32)
    pltpu.sync_copy(stg, pk_hbm.at[pl.ds(w * STG, STG)])
    cntv[pl.ds(0, 16)] = jnp.zeros((16,), jnp.int32) + cur
    pltpu.sync_copy(cntv, cnt_hbm.at[pl.ds(w * 16, 16)])


_sc_part = pl.kernel(
    _sc_part_body,
    out_type=(
        jax.ShapeDtypeStruct((NW * STG,), jnp.int32),
        jax.ShapeDtypeStruct((NW * 16,), jnp.int32),
    ),
    mesh=_mesh,
    compiler_params=_NLP,
    scratch_types=[
        pltpu.VMEM((CH2,), jnp.int32),
        pltpu.VMEM((CH2,), jnp.int32),
        pltpu.VMEM((CH2,), jnp.int32),
        pltpu.VMEM((CH2,), jnp.int32),
        pltpu.VMEM((STG,), jnp.int32),
        pltpu.VMEM((16,), jnp.int32),
        pltpu.SemaphoreType.DMA,
        pltpu.SemaphoreType.DMA,
    ],
)


RBW = 40960
BTRASH = RBW


def _sc_build_body(pk_hbm, cnt_hbm, zr_hbm, a0_hbm, a1_hbm, a2_hbm, a3_hbm,
                   stg, cntv, rowb, sem):
    c = lax.axis_index("c")
    s = lax.axis_index("s")
    w = c * NS + s
    pltpu.sync_copy(pk_hbm.at[pl.ds(w * STG, STG)], stg)
    pltpu.sync_copy(cnt_hbm.at[pl.ds(w * 16, 16)], cntv)
    cur = cntv[pl.ds(0, 16)][0]
    iota16 = lax.iota(jnp.int32, 16)
    ones16 = jnp.ones((16,), jnp.float32)

    def slab(a_hbm, shift, cols, rpc, nchunk):
        cw = rpc * cols
        sw = nchunk * cw

        def chunk(ch, carry):
            pltpu.sync_copy(zr_hbm.at[pl.ds(0, cw)], rowb.at[pl.ds(0, cw)])

            def grp(j, inner):
                pk16 = stg[pl.ds(j * 16, 16)]
                valid = (j * 16 + iota16) < cur
                sv = pk16 >> 9
                dloc = pk16 & 511
                ok = valid
                if shift >= 1:
                    ok = ok & ((sv >> 1) != ((dloc >> 1) + 160 * w))
                if shift >= 2:
                    ok = ok & ((sv >> 2) != ((dloc >> 2) + 80 * w))
                if shift >= 3:
                    ok = ok & ((sv >> 3) != ((dloc >> 3) + 40 * w))
                rl = (dloc >> shift) - ch * rpc
                p = sv >> shift
                m = ok & (rl >= 0) & (rl < rpc)
                idx = jnp.where(m, rl * cols + p, BTRASH)
                plsc.addupdate_scatter(rowb, [idx], ones16)
                return inner

            lax.fori_loop(0, STG // 16, grp, 0)
            pltpu.sync_copy(rowb.at[pl.ds(0, cw)],
                            a_hbm.at[pl.ds(w * sw + ch * cw, cw)])
            return carry

        lax.fori_loop(0, nchunk, chunk, 0)

    slab(a0_hbm, 0, NP0, 4, 80)
    slab(a1_hbm, 1, P1, 8, 20)
    slab(a2_hbm, 2, P2, 16, 5)
    slab(a3_hbm, 3, P3, 20, 2)


_sc_build = pl.kernel(
    _sc_build_body,
    out_type=(
        jax.ShapeDtypeStruct((NP0 * NP0,), jnp.float32),
        jax.ShapeDtypeStruct((A1_SZ,), jnp.float32),
        jax.ShapeDtypeStruct((A2_SZ,), jnp.float32),
        jax.ShapeDtypeStruct((A3_SZ,), jnp.float32),
    ),
    mesh=_mesh,
    compiler_params=_NLP,
    scratch_types=[
        pltpu.VMEM((STG,), jnp.int32),
        pltpu.VMEM((16,), jnp.int32),
        pltpu.VMEM((RBW + 16,), jnp.float32),
        pltpu.SemaphoreType.DMA,
    ],
)


def _sc_conv_body(x_hbm, pk_hbm, cnt_hbm, zacc_hbm, out_hbm,
                  stg, gidx, cntv, rows0, rows1, accv, sem0, sem1):
    c = lax.axis_index("c")
    s = lax.axis_index("s")
    w = c * NS + s
    base = w * OWN

    pltpu.sync_copy(pk_hbm.at[pl.ds(w * STG, STG)], stg)
    pltpu.sync_copy(cnt_hbm.at[pl.ds(w * 16, 16)], cntv)
    pltpu.sync_copy(zacc_hbm, accv)

    cur = cntv[pl.ds(0, 16)][0]
    nf = (cur + FB - 1) // FB

    def unpack(g, _):
        gidx[pl.ds(g * 16, 16)] = stg[pl.ds(g * 16, 16)] >> 9
        return _
    lax.fori_loop(0, STG // 16, unpack, 0)

    def fire(f, buf, sem):
        pltpu.async_copy(x_hbm.at[gidx.at[pl.ds(f * FB, FB)]], buf, sem)

    def waitg(buf, sem):
        pltpu.make_async_copy(x_hbm.at[pl.ds(0, FB)], buf, sem).wait()

    def accum(f, buf):
        def per_g(g, __):
            dloc16 = stg[pl.ds(f * FB + g * 16, 16)] & 511
            evec = g * 16 + lax.iota(jnp.int32, 16)

            def per_k(k, ___):
                for u in range(16):
                    cvec = jnp.zeros((16,), jnp.int32) + (k * 16 + u)
                    vals = plsc.load_gather(buf, [evec, cvec])
                    plsc.addupdate_scatter(accv, [dloc16, cvec], vals)
                return ___
            return lax.fori_loop(0, F // 16, per_k, __)
        lax.fori_loop(0, FB // 16, per_g, 0)

    @pl.when(nf > 0)
    def _():
        fire(0, rows0, sem0)

    @pl.when(nf > 1)
    def _():
        fire(1, rows1, sem1)

    def pair(fp, carry):
        f0 = 2 * fp
        f1 = f0 + 1

        @pl.when(f0 < nf)
        def _b0():
            waitg(rows0, sem0)
            accum(f0, rows0)

            @pl.when(f0 + 2 < nf)
            def _b0f():
                fire(f0 + 2, rows0, sem0)

        @pl.when(f1 < nf)
        def _b1():
            waitg(rows1, sem1)
            accum(f1, rows1)

            @pl.when(f1 + 2 < nf)
            def _b1f():
                fire(f1 + 2, rows1, sem1)
        return carry

    lax.fori_loop(0, (STG // FB + 1) // 2, pair, 0)
    pltpu.sync_copy(accv.at[pl.ds(0, OWN)], out_hbm.at[pl.ds(base, OWN)])


_sc_conv = pl.kernel(
    _sc_conv_body,
    out_type=jax.ShapeDtypeStruct((NP0, F), jnp.float32),
    mesh=_mesh,
    compiler_params=_NLP,
    scratch_types=[
        pltpu.VMEM((STG,), jnp.int32),
        pltpu.VMEM((STG,), jnp.int32),
        pltpu.VMEM((16,), jnp.int32),
        pltpu.VMEM((FB, F), jnp.float32),
        pltpu.VMEM((FB, F), jnp.float32),
        pltpu.VMEM((ACCR, F), jnp.float32),
        pltpu.SemaphoreType.DMA,
        pltpu.SemaphoreType.DMA,
    ],
)



def _t1_body(s1_ref, deg_ref, x_ref, wl_ref, wr_ref, b_ref, o_ref):
    a = s1_ref[...] / jnp.maximum(deg_ref[...], 1.0)
    o = a * wl_ref[...] + x_ref[...] * wr_ref[...] + b_ref[...]
    o_ref[...] = jnp.maximum(o, 0.0)


def _first_conv(s1, deg, x, wl, wr, b):
    R = 1000
    return pl.pallas_call(
        _t1_body,
        grid=(N0 // R,),
        in_specs=[
            pl.BlockSpec((R, 1), lambda g: (g, 0)),
            pl.BlockSpec((R, 1), lambda g: (g, 0)),
            pl.BlockSpec((R, 1), lambda g: (g, 0)),
            pl.BlockSpec((1, F), lambda g: (0, 0)),
            pl.BlockSpec((1, F), lambda g: (0, 0)),
            pl.BlockSpec((1, F), lambda g: (0, 0)),
        ],
        out_specs=pl.BlockSpec((R, F), lambda g: (g, 0)),
        out_shape=jax.ShapeDtypeStruct((N0, F), jnp.float32),
    )(s1, deg, x, wl, wr, b)


def _t2_body(agg_ref, deg_ref, x_ref, wl_ref, wr_ref, b_ref, o_ref):
    a = agg_ref[...] / jnp.maximum(deg_ref[...], 1.0)
    o = (jnp.dot(a, wl_ref[...], preferred_element_type=jnp.float32)
         + jnp.dot(x_ref[...], wr_ref[...], preferred_element_type=jnp.float32)
         + b_ref[...])
    o_ref[...] = jnp.maximum(o, 0.0)


def _sage_mm(agg, deg, x, wl, wr, b):
    R = 1000
    return pl.pallas_call(
        _t2_body,
        grid=(N0 // R,),
        in_specs=[
            pl.BlockSpec((R, F), lambda g: (g, 0)),
            pl.BlockSpec((R, 1), lambda g: (g, 0)),
            pl.BlockSpec((R, F), lambda g: (g, 0)),
            pl.BlockSpec((F, F), lambda g: (0, 0)),
            pl.BlockSpec((F, F), lambda g: (0, 0)),
            pl.BlockSpec((1, F), lambda g: (0, 0)),
        ],
        out_specs=pl.BlockSpec((R, F), lambda g: (g, 0)),
        out_shape=jax.ShapeDtypeStruct((N0, F), jnp.float32),
    )(agg, deg, x, wl, wr, b)


def _t3_body(clip, at_ref, xk_ref, xi_ref, wl_ref, wr_ref, b_ref, o_ref,
             acc, dacc):
    k = pl.program_id(1)
    nk = pl.num_programs(1)

    @pl.when(k == 0)
    def _():
        acc[...] = jnp.zeros_like(acc)
        dacc[...] = jnp.zeros_like(dacc)

    a = at_ref[...]
    if clip:
        a = jnp.minimum(a, 1.0)
    acc[...] += jnp.dot(a, xk_ref[...], preferred_element_type=jnp.float32)
    dacc[...] += jnp.sum(a, axis=1, keepdims=True)

    @pl.when(k == nk - 1)
    def _():
        m = acc[...] / jnp.maximum(dacc[...], 1.0)
        o = (jnp.dot(m, wl_ref[...], preferred_element_type=jnp.float32)
             + jnp.dot(xi_ref[...], wr_ref[...], preferred_element_type=jnp.float32)
             + b_ref[...])
        o_ref[...] = jnp.maximum(o, 0.0)


def _dense_sage(at, x, wl, wr, b, n, r, clip=True):
    g = n // r
    return pl.pallas_call(
        functools.partial(_t3_body, clip),
        grid=(g, g),
        in_specs=[
            pl.BlockSpec((r, r), lambda i, k: (i, k)),
            pl.BlockSpec((r, F), lambda i, k: (k, 0)),
            pl.BlockSpec((r, F), lambda i, k: (i, 0)),
            pl.BlockSpec((F, F), lambda i, k: (0, 0)),
            pl.BlockSpec((F, F), lambda i, k: (0, 0)),
            pl.BlockSpec((1, F), lambda i, k: (0, 0)),
        ],
        out_specs=pl.BlockSpec((r, F), lambda i, k: (i, 0)),
        out_shape=jax.ShapeDtypeStruct((n, F), jnp.float32),
        scratch_shapes=[
            pltpu.VMEM((r, F), jnp.float32),
            pltpu.VMEM((r, 1), jnp.float32),
        ],
    )(at, x, x, wl, wr, b)


def _t4_body(x_ref, o_ref):
    o_ref[...] = (x_ref[:, 0, :] + x_ref[:, 1, :]) * 0.5


def _pool(x, r):
    n2 = x.shape[0] // 2
    x3 = x.reshape(n2, 2, F)
    return pl.pallas_call(
        _t4_body,
        grid=(n2 // r,),
        in_specs=[pl.BlockSpec((r, 2, F), lambda g: (g, 0, 0))],
        out_specs=pl.BlockSpec((r, F), lambda g: (g, 0)),
        out_shape=jax.ShapeDtypeStruct((n2, F), jnp.float32),
    )(x3)


def _t6_body(xc_ref, xi_ref, o_ref):
    o_ref[...] = (xc_ref[...][:, None, :] + xi_ref[...]) * 0.5


def _unpool(xc, xinfo, r):
    nc = xc.shape[0]
    xi3 = xinfo.reshape(nc, 2, F)
    out = pl.pallas_call(
        _t6_body,
        grid=(nc // r,),
        in_specs=[
            pl.BlockSpec((r, F), lambda g: (g, 0)),
            pl.BlockSpec((r, 2, F), lambda g: (g, 0, 0)),
        ],
        out_specs=pl.BlockSpec((r, 2, F), lambda g: (g, 0, 0)),
        out_shape=jax.ShapeDtypeStruct((nc, 2, F), jnp.float32),
    )(xc, xi3)
    return out.reshape(nc * 2, F)


def _t8_body(x_ref, w1_ref, b1_ref, w2_ref, b2_ref, w3_ref, b3_ref,
             wf_ref, bf_ref, o_ref):
    h = jnp.maximum(jnp.dot(x_ref[...], w1_ref[...],
                            preferred_element_type=jnp.float32) + b1_ref[...], 0.0)
    h = jnp.maximum(jnp.dot(h, w2_ref[...],
                            preferred_element_type=jnp.float32) + b2_ref[...], 0.0)
    h = jnp.maximum(jnp.dot(h, w3_ref[...],
                            preferred_element_type=jnp.float32) + b3_ref[...], 0.0)
    l = jnp.dot(h, wf_ref[...], preferred_element_type=jnp.float32) + bf_ref[...]
    m = jnp.max(l, axis=1, keepdims=True)
    e = jnp.exp(l - m)
    o_ref[...] = e / jnp.sum(e, axis=1, keepdims=True)


def _mlp(x, w1, b1, w2, b2, w3, b3, wf, bf):
    R = 1000
    return pl.pallas_call(
        _t8_body,
        grid=(N0 // R,),
        in_specs=[
            pl.BlockSpec((R, F), lambda g: (g, 0)),
            pl.BlockSpec((F, 256), lambda g: (0, 0)),
            pl.BlockSpec((1, 256), lambda g: (0, 0)),
            pl.BlockSpec((256, 128), lambda g: (0, 0)),
            pl.BlockSpec((1, 128), lambda g: (0, 0)),
            pl.BlockSpec((128, 64), lambda g: (0, 0)),
            pl.BlockSpec((1, 64), lambda g: (0, 0)),
            pl.BlockSpec((64, 2), lambda g: (0, 0)),
            pl.BlockSpec((1, 2), lambda g: (0, 0)),
        ],
        out_specs=pl.BlockSpec((R, 2), lambda g: (g, 0)),
        out_shape=jax.ShapeDtypeStruct((N0, 2), jnp.float32),
    )(x, w1, b1, w2, b2, w3, b3, wf, bf)


def kernel(x, edge_index, batch, W_first_l, W_first_r, b_first,
           W_pre_l, W_pre_r, b_pre, W_post_l, W_post_r, b_post,
           W_coarse_l, W_coarse_r, b_coarse, W1, b1, W2, b2, W3, b3, Wf, bf):
    src = edge_index[0]
    dst = edge_index[1]
    zrow = jnp.zeros((RBW,), jnp.float32)

    pk, cnt = _sc_part(src, dst)
    a0f, a1f, a2f, a3f = _sc_build(pk, cnt, zrow)
    a0t = a0f.reshape(NP0, NP0)
    a1t = a1f.reshape(P1, P1)
    a2t = a2f.reshape(P2, P2)
    a3t = a3f.reshape(P3, P3)

    xfirst = jnp.pad(x, ((0, NP0 - N0), (0, F - 1)))
    wl_first = jnp.concatenate([W_first_l, jnp.zeros((F - 1, F), jnp.float32)])
    wr_first = jnp.concatenate([W_first_r, jnp.zeros((F - 1, F), jnp.float32)])
    h = _dense_sage(a0t, xfirst, wl_first, wr_first,
                    b_first.reshape(1, F), NP0, 1024, clip=False)
    for i in range(2):
        h = _dense_sage(a0t, h, W_pre_l[i], W_pre_r[i],
                        b_pre[i].reshape(1, F), NP0, 1024, clip=False)
    x0 = h

    h = _pool(h, 512)
    for i in range(2):
        h = _dense_sage(a1t, h, W_pre_l[i], W_pre_r[i],
                        b_pre[i].reshape(1, F), P1, 1024)
    x1 = h

    h = _pool(h, 512)
    for i in range(2):
        h = _dense_sage(a2t, h, W_pre_l[i], W_pre_r[i],
                        b_pre[i].reshape(1, F), P2, 512)
    x2f = h

    h = _pool(h, 256)
    h = _dense_sage(a3t, h, W_coarse_l, W_coarse_r,
                    b_coarse.reshape(1, F), P3, 256)

    h = _unpool(h, x2f, 256)
    for i in range(2):
        h = _dense_sage(a2t, h, W_post_l[i], W_post_r[i],
                        b_post[i].reshape(1, F), P2, 512)

    h = _unpool(h, x1, 512)
    for i in range(2):
        h = _dense_sage(a1t, h, W_post_l[i], W_post_r[i],
                        b_post[i].reshape(1, F), P1, 1024)

    h = _unpool(h, x0, 512)
    for i in range(2):
        h = _dense_sage(a0t, h, W_post_l[i], W_post_r[i],
                        b_post[i].reshape(1, F), NP0, 1024, clip=False)

    return _mlp(h[:N0], W1, b1.reshape(1, 256), W2, b2.reshape(1, 128),
                W3, b3.reshape(1, 64), Wf, bf.reshape(1, 2))

# --- scband reference (transcript-rebuilt; emitter-appended) ---
"""Pipeline reference for scband-model-partitioning-1026-1v1-53712861004092 (READ-ONLY COPY).

The authoritative reference and input builder live on the scoring server;
editing this copy changes nothing except your own understanding.
"""

import jax, jax.numpy as jnp
import numpy as np

L = 256
N_NODES = 10000
N_EDGES = 160000
THRESH = 1250
PRE = 2
POST = 2

def _w(key, shape):
    fan_in = shape[-2] if len(shape) >= 2 else shape[-1]
    return (jax.random.normal(key, shape, jnp.float32) / np.sqrt(fan_in)).astype(jnp.float32)

def setup_inputs(seed: int = 0):
    key = jax.random.key(seed)
    ks = jax.random.split(key, 16)
    inp = {}
    inp['x'] = jax.random.normal(ks[0], (N_NODES, 1), jnp.float32)
    inp['edge_index'] = jax.random.randint(ks[1], (2, N_EDGES), 0, N_NODES, dtype=jnp.int32)
    inp['batch'] = jnp.zeros((N_NODES,), jnp.int32)
    inp['W_first_l'] = _w(ks[2], (1, L)); inp['W_first_r'] = _w(ks[3], (1, L)); inp['b_first'] = jnp.zeros((L,), jnp.float32)
    inp['W_pre_l'] = _w(ks[4], (PRE, L, L)); inp['W_pre_r'] = _w(ks[5], (PRE, L, L)); inp['b_pre'] = jnp.zeros((PRE, L), jnp.float32)
    inp['W_post_l'] = _w(ks[6], (POST, L, L)); inp['W_post_r'] = _w(ks[7], (POST, L, L)); inp['b_post'] = jnp.zeros((POST, L), jnp.float32)
    inp['W_coarse_l'] = _w(ks[8], (L, L)); inp['W_coarse_r'] = _w(ks[9], (L, L)); inp['b_coarse'] = jnp.zeros((L,), jnp.float32)
    inp['W1'] = _w(ks[10], (L, 256)); inp['b1'] = jnp.zeros((256,), jnp.float32)
    inp['W2'] = _w(ks[11], (256, 128)); inp['b2'] = jnp.zeros((128,), jnp.float32)
    inp['W3'] = _w(ks[12], (128, 64)); inp['b3'] = jnp.zeros((64,), jnp.float32)
    inp['Wf'] = _w(ks[13], (64, 2)); inp['bf'] = jnp.zeros((2,), jnp.float32)
    return inp

def _sage(x, src, dst, n, Wl, Wr, b, w=None):
    if w is None:
        msg = jnp.take(x, src, axis=0)
        agg = jax.ops.segment_sum(msg, dst, num_segments=n)
        deg = jax.ops.segment_sum(jnp.ones(src.shape, x.dtype), dst, num_segments=n)
    else:
        wf = w.astype(x.dtype)
        dstw = jnp.where(w, dst, n)
        msg = jnp.take(x, src, axis=0) * wf[:, None]
        agg = jax.ops.segment_sum(msg, dstw, num_segments=n)
        deg = jax.ops.segment_sum(wf, dstw, num_segments=n)
    agg = agg / jnp.clip(deg, 1.0, None)[:, None]
    return agg @ Wl + x @ Wr + b

def _coarsen_structure(edge_index):
    clusters, edges, masks, inverses, sizes = [], [], [], [], []
    ei = edge_index
    m = jnp.ones((edge_index.shape[1],), jnp.bool_)
    n = N_NODES
    while n > THRESH:
        cluster = np.arange(n, dtype=np.int32) // 2
        nc = (n + 1) // 2
        _, inv = np.unique(cluster, return_inverse=True)
        clusters.append(jnp.asarray(cluster)); edges.append(ei); masks.append(m)
        inverses.append(jnp.asarray(inv.reshape(-1).astype(np.int32))); sizes.append((n, nc))
        cei = jnp.take(jnp.asarray(cluster), ei, axis=0)
        sentinel = nc * nc
        keys = jnp.where(m & (cei[0] != cei[1]), cei[0] * nc + cei[1], sentinel)
        sk = jnp.sort(keys)
        m = jnp.concatenate([jnp.array([True]), sk[1:] != sk[:-1]]) & (sk < sentinel)
        ei = jnp.stack([jnp.where(m, sk // nc, 0), jnp.where(m, sk % nc, 0)]).astype(jnp.int32)
        n = nc
    return clusters, edges, masks, inverses, sizes, ei, m, n

def reference(x, edge_index, batch, W_first_l, W_first_r, b_first, W_pre_l, W_pre_r, b_pre, W_post_l, W_post_r, b_post, W_coarse_l, W_coarse_r, b_coarse, W1, b1, W2, b2, W3, b3, Wf, bf):
    clusters, edges, masks, inverses, sizes, coarse_ei, coarse_m, coarse_n = _coarsen_structure(edge_index)
    x = jax.nn.relu(_sage(x, edge_index[0], edge_index[1], N_NODES, W_first_l, W_first_r, b_first))
    x_info = []
    for lvl in range(len(clusters)):
        n, nc = sizes[lvl]
        s, d = edges[lvl][0], edges[lvl][1]
        for i in range(PRE):
            x = jax.nn.relu(_sage(x, s, d, n, W_pre_l[i], W_pre_r[i], b_pre[i], masks[lvl]))
        x_info.append(x)
        cnt = jax.ops.segment_sum(jnp.ones((n,), x.dtype), clusters[lvl], num_segments=nc)
        x = jax.ops.segment_sum(x, clusters[lvl], num_segments=nc) / jnp.clip(cnt, 1.0, None)[:, None]
    x = jax.nn.relu(_sage(x, coarse_ei[0], coarse_ei[1], coarse_n, W_coarse_l, W_coarse_r, b_coarse, coarse_m))
    for lvl in reversed(range(len(clusters))):
        x = (jnp.take(x, inverses[lvl], axis=0) + x_info[lvl]) / 2.0
        n, nc = sizes[lvl]
        s, d = edges[lvl][0], edges[lvl][1]
        for i in range(POST):
            x = jax.nn.relu(_sage(x, s, d, n, W_post_l[i], W_post_r[i], b_post[i], masks[lvl]))
    x = jax.nn.relu(x @ W1 + b1)
    x = jax.nn.relu(x @ W2 + b2)
    x = jax.nn.relu(x @ W3 + b3)
    return jax.nn.softmax(x @ Wf + bf, axis=1)

if __name__ == "__main__":
    import jax
    _d = setup_inputs()
    print(jax.jit(kernel)(*tuple(_d.values())))

</pallas_src>

<mosaic_0001>
#map = affine_map<(d0, d1) -> (0)>
module attributes {stable_mosaic.version = 14 : i64} {
  func.func @_sc_build_body(%arg0: i32, %arg1: i32, %arg2: memref<184320xi32, #tpu.memory_space<hbm>>, %arg3: memref<512xi32, #tpu.memory_space<hbm>>, %arg4: memref<40960xf32, #tpu.memory_space<hbm>>, %arg5: memref<104857600xf32, #tpu.memory_space<hbm>>, %arg6: memref<26214400xf32, #tpu.memory_space<hbm>>, %arg7: memref<6553600xf32, #tpu.memory_space<hbm>>, %arg8: memref<1638400xf32, #tpu.memory_space<hbm>>, %arg9: memref<5760xi32, #tpu.memory_space<vmem>>, %arg10: memref<16xi32, #tpu.memory_space<vmem>>, %arg11: memref<40976xf32, #tpu.memory_space<vmem>>, %arg12: memref<!tpu.dma_semaphore, #tpu.memory_space<semaphore_mem>>) attributes {dimension_semantics = [#tpu.dimension_semantics<core_parallel>, #tpu.dimension_semantics<subcore_parallel>], iteration_bounds = array<i64: 2, 16>, scalar_prefetch = 0 : i64, scratch_operands = 4 : i64, tpu.core_type = #tpu.core_type<sc_vector_subcore>, window_params = [{transform_indices = #map}, {transform_indices = #map}, {transform_indices = #map}, {transform_indices = #map}, {transform_indices = #map}, {transform_indices = #map}, {transform_indices = #map}]} {
    %mul3A = arith.constant 16 : i32
    %mul3A_0 = arith.muli %arg0, %mul3A : i32
    %add3A = arith.addi %mul3A_0, %arg1 : i32
    %mul3A_1 = arith.constant 5760 : i32
    %mul3A_2 = arith.muli %add3A, %mul3A_1 : i32
    "tpu.region"() ({
      %run_scoped3A = tpu.sem_alloc : memref<!tpu.dma_semaphore, #tpu.memory_space<semaphore_mem>>
      %dma_start3A = tpu.memref_slice %arg2[%mul3A_2] : memref<184320xi32, #tpu.memory_space<hbm>> -> memref<5760xi32, #tpu.memory_space<hbm>>
      %dma_start3A_30 = tpu.memref_slice %arg2[%mul3A_2] : memref<184320xi32, #tpu.memory_space<hbm>> -> memref<5760xi32, #tpu.memory_space<hbm>>
      tpu.enqueue_dma source(%dma_start3A_30 : memref<5760xi32, #tpu.memory_space<hbm>>) target(%arg9 : memref<5760xi32, #tpu.memory_space<vmem>>) target_semaphore(%run_scoped3A : memref<!tpu.dma_semaphore, #tpu.memory_space<semaphore_mem>>)
      %dma_wait3A = tpu.memref_slice %arg2[%mul3A_2] : memref<184320xi32, #tpu.memory_space<hbm>> -> memref<5760xi32, #tpu.memory_space<hbm>>
      %dma_wait3A_31 = tpu.memref_slice %arg2[%mul3A_2] : memref<184320xi32, #tpu.memory_space<hbm>> -> memref<5760xi32, #tpu.memory_space<hbm>>
      tpu.wait_dma2 semaphore(%run_scoped3A : memref<!tpu.dma_semaphore, #tpu.memory_space<semaphore_mem>>) src(%dma_wait3A_31 : memref<5760xi32, #tpu.memory_space<hbm>>) dst(%arg9 : memref<5760xi32, #tpu.memory_space<vmem>>)
      tpu.yield
    }) : () -> ()
    %mul3A_3 = arith.constant 16 : i32
    %mul3A_4 = arith.muli %add3A, %mul3A_3 : i32
    "tpu.region"() ({
      %run_scoped3A = tpu.sem_alloc : memref<!tpu.dma_semaphore, #tpu.memory_space<semaphore_mem>>
      %dma_start3A = tpu.memref_slice %arg3[%mul3A_4] : memref<512xi32, #tpu.memory_space<hbm>> -> memref<16xi32, #tpu.memory_space<hbm>>
      %dma_start3A_30 = tpu.memref_slice %arg3[%mul3A_4] : memref<512xi32, #tpu.memory_space<hbm>> -> memref<16xi32, #tpu.memory_space<hbm>>
      tpu.enqueue_dma source(%dma_start3A_30 : memref<16xi32, #tpu.memory_space<hbm>>) target(%arg10 : memref<16xi32, #tpu.memory_space<vmem>>) target_semaphore(%run_scoped3A : memref<!tpu.dma_semaphore, #tpu.memory_space<semaphore_mem>>)
      %dma_wait3A = tpu.memref_slice %arg3[%mul3A_4] : memref<512xi32, #tpu.memory_space<hbm>> -> memref<16xi32, #tpu.memory_space<hbm>>
      %dma_wait3A_31 = tpu.memref_slice %arg3[%mul3A_4] : memref<512xi32, #tpu.memory_space<hbm>> -> memref<16xi32, #tpu.memory_space<hbm>>
      tpu.wait_dma2 semaphore(%run_scoped3A : memref<!tpu.dma_semaphore, #tpu.memory_space<semaphore_mem>>) src(%dma_wait3A_31 : memref<16xi32, #tpu.memory_space<hbm>>) dst(%arg10 : memref<16xi32, #tpu.memory_space<vmem>>)
      tpu.yield
    }) : () -> ()
    %get3A = arith.constant 0 : index
    %get3A_5 = tpu.vector_load %arg10[%get3A] {strides = array<i32>} : memref<16xi32, #tpu.memory_space<vmem>>, vector<16xi32>,
    %slice3A = vector.extract_strided_slice %get3A_5 {offsets = [0], sizes = [1], strides = [1]} : vector<16xi32> to vector<1xi32>
    %squeeze3A = vector.extract %slice3A[0] : i32 from vector<1xi32>
    %iota3A = tpu.iota {dimensions = array<i32: 0>} : vector<16xi32>
    %broadcast_in_dim3A = arith.constant 1.000000e+00 : f32
    %broadcast_in_dim3A_6 = vector.broadcast %broadcast_in_dim3A : f32 to vector<16xf32>
    %scan3A = arith.constant 0 : i32
    %scan3A_7 = arith.constant 0 : i32
    %scan3A_8 = arith.constant 80 : i32
    %scan3A_9 = arith.addi %scan3A_7, %scan3A_8 : i32
    %scan3A_10 = arith.constant 1 : i32
    scf.for %scan3A_30 = %scan3A_7 to %scan3A_9 step %scan3A_10  : i32 {
      "tpu.region"() ({
        %run_scoped3A = tpu.sem_alloc : memref<!tpu.dma_semaphore, #tpu.memory_space<semaphore_mem>>
        %dma_start3A = arith.constant 0 : i32
        %dma_start3A_42 = tpu.memref_slice %arg11[%dma_start3A] : memref<40976xf32, #tpu.memory_space<vmem>> -> memref<40960xf32, #tpu.memory_space<vmem>>
        %dma_start3A_43 = arith.constant 0 : i32
        %dma_start3A_44 = tpu.memref_slice %arg4[%dma_start3A_43] : memref<40960xf32, #tpu.memory_space<hbm>> -> memref<40960xf32, #tpu.memory_space<hbm>>
        %dma_start3A_45 = arith.constant 0 : i32
        %dma_start3A_46 = tpu.memref_slice %arg11[%dma_start3A_45] : memref<40976xf32, #tpu.memory_space<vmem>> -> memref<40960xf32, #tpu.memory_space<vmem>>
        %dma_start3A_47 = arith.constant 0 : i32
        %dma_start3A_48 = tpu.memref_slice %arg4[%dma_start3A_47] : memref<40960xf32, #tpu.memory_space<hbm>> -> memref<40960xf32, #tpu.memory_space<hbm>>
        tpu.enqueue_dma source(%dma_start3A_48 : memref<40960xf32, #tpu.memory_space<hbm>>) target(%dma_start3A_46 : memref<40960xf32, #tpu.memory_space<vmem>>) target_semaphore(%run_scoped3A : memref<!tpu.dma_semaphore, #tpu.memory_space<semaphore_mem>>)
        %dma_wait3A = arith.constant 0 : i32
        %dma_wait3A_49 = tpu.memref_slice %arg11[%dma_wait3A] : memref<40976xf32, #tpu.memory_space<vmem>> -> memref<40960xf32, #tpu.memory_space<vmem>>
        %dma_wait3A_50 = arith.constant 0 : i32
        %dma_wait3A_51 = tpu.memref_slice %arg4[%dma_wait3A_50] : memref<40960xf32, #tpu.memory_space<hbm>> -> memref<40960xf32, #tpu.memory_space<hbm>>
        %dma_wait3A_52 = arith.constant 0 : i32
        %dma_wait3A_53 = tpu.memref_slice %arg11[%dma_wait3A_52] : memref<40976xf32, #tpu.memory_space<vmem>> -> memref<40960xf32, #tpu.memory_space<vmem>>
        %dma_wait3A_54 = arith.constant 0 : i32
        %dma_wait3A_55 = tpu.memref_slice %arg4[%dma_wait3A_54] : memref<40960xf32, #tpu.memory_space<hbm>> -> memref<40960xf32, #tpu.memory_space<hbm>>
        tpu.wait_dma2 semaphore(%run_scoped3A : memref<!tpu.dma_semaphore, #tpu.memory_space<semaphore_mem>>) src(%dma_wait3A_55 : memref<40960xf32, #tpu.memory_space<hbm>>) dst(%dma_wait3A_53 : memref<40960xf32, #tpu.memory_space<vmem>>)
        tpu.yield
      }) : () -> ()
      %scan3A_31 = arith.constant 0 : i32
      %scan3A_32 = arith.constant 0 : i32
      %scan3A_33 = arith.constant 360 : i32
      %scan3A_34 = arith.addi %scan3A_32, %scan3A_33 : i32
      %scan3A_35 = arith.constant 1 : i32
      scf.for %scan3A_42 = %scan3A_32 to %scan3A_34 step %scan3A_35  : i32 {
        %mul3A_43 = arith.constant 16 : i32
        %mul3A_44 = arith.muli %scan3A_42, %mul3A_43 : i32
        %get3A_45 = arith.index_cast %mul3A_44 : i32 to index
        %get3A_46 = tpu.vector_load %arg9[%get3A_45] {strides = array<i32>} : memref<5760xi32, #tpu.memory_space<vmem>>, vector<16xi32>,
        %mul3A_47 = arith.constant 16 : i32
        %mul3A_48 = arith.muli %scan3A_42, %mul3A_47 : i32
        %add3A_49 = vector.broadcast %mul3A_48 : i32 to vector<16xi32>
        %add3A_50 = arith.addi %add3A_49, %iota3A : vector<16xi32>
        %lt3A = vector.broadcast %squeeze3A : i32 to vector<16xi32>
        %lt3A_51 = arith.cmpi slt, %add3A_50, %lt3A : vector<16xi32>
        %shift_right_arithmetic3A = arith.constant 9 : i32
        %shift_right_arithmetic3A_52 = vector.broadcast %shift_right_arithmetic3A : i32 to vector<16xi32>
        %shift_right_arithmetic3A_53 = arith.shrsi %get3A_46, %shift_right_arithmetic3A_52 : vector<16xi32>
        %and3A = arith.constant 511 : i32
        %and3A_54 = vector.broadcast %and3A : i32 to vector<16xi32>
        %and3A_55 = arith.andi %get3A_46, %and3A_54 : vector<16xi32>
        %shift_right_arithmetic3A_56 = arith.constant 0 : i32
        %shift_right_arithmetic3A_57 = vector.broadcast %shift_right_arithmetic3A_56 : i32 to vector<16xi32>
        %shift_right_arithmetic3A_58 = arith.shrsi %and3A_55, %shift_right_arithmetic3A_57 : vector<16xi32>
        %mul3A_59 = arith.constant 4 : i32
        %mul3A_60 = arith.muli %scan3A_30, %mul3A_59 : i32
        %sub3A = vector.broadcast %mul3A_60 : i32 to vector<16xi32>
        %sub3A_61 = arith.subi %shift_right_arithmetic3A_58, %sub3A : vector<16xi32>
        %shift_right_arithmetic3A_62 = arith.constant 0 : i32
        %shift_right_arithmetic3A_63 = vector.broadcast %shift_right_arithmetic3A_62 : i32 to vector<16xi32>
        %shift_right_arithmetic3A_64 = arith.shrsi %shift_right_arithmetic3A_53, %shift_right_arithmetic3A_63 : vector<16xi32>
        %ge3A = arith.constant 0 : i32
        %ge3A_65 = vector.broadcast %ge3A : i32 to vector<16xi32>
        %ge3A_66 = arith.cmpi sge, %sub3A_61, %ge3A_65 : vector<16xi32>
        %and3A_67 = arith.andi %lt3A_51, %ge3A_66 : vector<16xi1>
        %lt3A_68 = arith.constant 4 : i32
        %lt3A_69 = vector.broadcast %lt3A_68 : i32 to vector<16xi32>
        %lt3A_70 = arith.cmpi slt, %sub3A_61, %lt3A_69 : vector<16xi32>
        %and3A_71 = arith.andi %and3A_67, %lt3A_70 : vector<16xi1>
        %mul3A_72 = arith.constant 10240 : i32
        %mul3A_73 = vector.broadcast %mul3A_72 : i32 to vector<16xi32>
        %mul3A_74 = arith.muli %sub3A_61, %mul3A_73 : vector<16xi32>
        %add3A_75 = arith.addi %mul3A_74, %shift_right_arithmetic3A_64 : vector<16xi32>
        %jit3A = arith.constant 40960 : i32
        %broadcast_in_dim3A_76 = vector.broadcast %jit3A : i32 to vector<16xi32>
        %select_n3A = arith.select %and3A_71, %add3A_75, %broadcast_in_dim3A_76 : vector<16xi1>, vector<16xi32>
        tpu.vector_store_idx %arg11[%select_n3A], %broadcast_in_dim3A_6 {add = true} : memref<40976xf32, #tpu.memory_space<vmem>>[vector<16xi32>], vector<16xf32>,
      }
      %scan3A_36 = arith.constant 360 : i32
      %mul3A_37 = arith.constant 3276800 : i32
      %mul3A_38 = arith.muli %add3A, %mul3A_37 : i32
      %mul3A_39 = arith.constant 40960 : i32
      %mul3A_40 = arith.muli %scan3A_30, %mul3A_39 : i32
      %add3A_41 = arith.addi %mul3A_38, %mul3A_40 : i32
      "tpu.region"() ({
        %run_scoped3A = tpu.sem_alloc : memref<!tpu.dma_semaphore, #tpu.memory_space<semaphore_mem>>
        %dma_start3A = arith.constant 0 : i32
        %dma_start3A_42 = tpu.memref_slice %arg11[%dma_start3A] : memref<40976xf32, #tpu.memory_space<vmem>> -> memref<40960xf32, #tpu.memory_space<vmem>>
        %dma_start3A_43 = tpu.memref_slice %arg5[%add3A_41] : memref<104857600xf32, #tpu.memory_space<hbm>> -> memref<40960xf32, #tpu.memory_space<hbm>>
        %dma_start3A_44 = tpu.memref_slice %arg5[%add3A_41] : memref<104857600xf32, #tpu.memory_space<hbm>> -> memref<40960xf32, #tpu.memory_space<hbm>>
        %dma_start3A_45 = arith.constant 0 : i32
        %dma_start3A_46 = tpu.memref_slice %arg11[%dma_start3A_45] : memref<40976xf32, #tpu.memory_space<vmem>> -> memref<40960xf32, #tpu.memory_space<vmem>>
        tpu.enqueue_dma source(%dma_start3A_46 : memref<40960xf32, #tpu.memory_space<vmem>>) target(%dma_start3A_44 : memref<40960xf32, #tpu.memory_space<hbm>>) target_semaphore(%run_scoped3A : memref<!tpu.dma_semaphore, #tpu.memory_space<semaphore_mem>>)
        %dma_wait3A = arith.constant 0 : i32
        %dma_wait3A_47 = tpu.memref_slice %arg11[%dma_wait3A] : memref<40976xf32, #tpu.memory_space<vmem>> -> memref<40960xf32, #tpu.memory_space<vmem>>
        %dma_wait3A_48 = tpu.memref_slice %arg5[%add3A_41] : memref<104857600xf32, #tpu.memory_space<hbm>> -> memref<40960xf32, #tpu.memory_space<hbm>>
        %dma_wait3A_49 = tpu.memref_slice %arg5[%add3A_41] : memref<104857600xf32, #tpu.memory_space<hbm>> -> memref<40960xf32, #tpu.memory_space<hbm>>
        %dma_wait3A_50 = arith.constant 0 : i32
        %dma_wait3A_51 = tpu.memref_slice %arg11[%dma_wait3A_50] : memref<40976xf32, #tpu.memory_space<vmem>> -> memref<40960xf32, #tpu.memory_space<vmem>>
        tpu.wait_dma2 semaphore(%run_scoped3A : memref<!tpu.dma_semaphore, #tpu.memory_space<semaphore_mem>>) src(%dma_wait3A_51 : memref<40960xf32, #tpu.memory_space<vmem>>) dst(%dma_wait3A_49 : memref<40960xf32, #tpu.memory_space<hbm>>)
        tpu.yield
      }) : () -> ()
    }
    %scan3A_11 = arith.constant 80 : i32
    %scan3A_12 = arith.constant 0 : i32
    %scan3A_13 = arith.constant 0 : i32
    %scan3A_14 = arith.constant 20 : i32
    %scan3A_15 = arith.addi %scan3A_13, %scan3A_14 : i32
    %scan3A_16 = arith.constant 1 : i32
    scf.for %scan3A_30 = %scan3A_13 to %scan3A_15 step %scan3A_16  : i32 {
      "tpu.region"() ({
        %run_scoped3A = tpu.sem_alloc : memref<!tpu.dma_semaphore, #tpu.memory_space<semaphore_mem>>
        %dma_start3A = arith.constant 0 : i32
        %dma_start3A_42 = tpu.memref_slice %arg11[%dma_start3A] : memref<40976xf32, #tpu.memory_space<vmem>> -> memref<40960xf32, #tpu.memory_space<vmem>>
        %dma_start3A_43 = arith.constant 0 : i32
        %dma_start3A_44 = tpu.memref_slice %arg4[%dma_start3A_43] : memref<40960xf32, #tpu.memory_space<hbm>> -> memref<40960xf32, #tpu.memory_space<hbm>>
        %dma_start3A_45 = arith.constant 0 : i32
        %dma_start3A_46 = tpu.memref_slice %arg11[%dma_start3A_45] : memref<40976xf32, #tpu.memory_space<vmem>> -> memref<40960xf32, #tpu.memory_space<vmem>>
        %dma_start3A_47 = arith.constant 0 : i32
        %dma_start3A_48 = tpu.memref_slice %arg4[%dma_start3A_47] : memref<40960xf32, #tpu.memory_space<hbm>> -> memref<40960xf32, #tpu.memory_space<hbm>>
        tpu.enqueue_dma source(%dma_start3A_48 : memref<40960xf32, #tpu.memory_space<hbm>>) target(%dma_start3A_46 : memref<40960xf32, #tpu.memory_space<vmem>>) target_semaphore(%run_scoped3A : memref<!tpu.dma_semaphore, #tpu.memory_space<semaphore_mem>>)
        %dma_wait3A = arith.constant 0 : i32
        %dma_wait3A_49 = tpu.memref_slice %arg11[%dma_wait3A] : memref<40976xf32, #tpu.memory_space<vmem>> -> memref<40960xf32, #tpu.memory_space<vmem>>
        %dma_wait3A_50 = arith.constant 0 : i32
        %dma_wait3A_51 = tpu.memref_slice %arg4[%dma_wait3A_50] : memref<40960xf32, #tpu.memory_space<hbm>> -> memref<40960xf32, #tpu.memory_space<hbm>>
        %dma_wait3A_52 = arith.constant 0 : i32
        %dma_wait3A_53 = tpu.memref_slice %arg11[%dma_wait3A_52] : memref<40976xf32, #tpu.memory_space<vmem>> -> memref<40960xf32, #tpu.memory_space<vmem>>
        %dma_wait3A_54 = arith.constant 0 : i32
        %dma_wait3A_55 = tpu.memref_slice %arg4[%dma_wait3A_54] : memref<40960xf32, #tpu.memory_space<hbm>> -> memref<40960xf32, #tpu.memory_space<hbm>>
        tpu.wait_dma2 semaphore(%run_scoped3A : memref<!tpu.dma_semaphore, #tpu.memory_space<semaphore_mem>>) src(%dma_wait3A_55 : memref<40960xf32, #tpu.memory_space<hbm>>) dst(%dma_wait3A_53 : memref<40960xf32, #tpu.memory_space<vmem>>)
        tpu.yield
      }) : () -> ()
      %scan3A_31 = arith.constant 0 : i32
      %scan3A_32 = arith.constant 0 : i32
      %scan3A_33 = arith.constant 360 : i32
      %scan3A_34 = arith.addi %scan3A_32, %scan3A_33 : i32
      %scan3A_35 = arith.constant 1 : i32
      scf.for %scan3A_42 = %scan3A_32 to %scan3A_34 step %scan3A_35  : i32 {
        %mul3A_43 = arith.constant 16 : i32
        %mul3A_44 = arith.muli %scan3A_42, %mul3A_43 : i32
        %get3A_45 = arith.index_cast %mul3A_44 : i32 to index
        %get3A_46 = tpu.vector_load %arg9[%get3A_45] {strides = array<i32>} : memref<5760xi32, #tpu.memory_space<vmem>>, vector<16xi32>,
        %mul3A_47 = arith.constant 16 : i32
        %mul3A_48 = arith.muli %scan3A_42, %mul3A_47 : i32
        %add3A_49 = vector.broadcast %mul3A_48 : i32 to vector<16xi32>
        %add3A_50 = arith.addi %add3A_49, %iota3A : vector<16xi32>
        %lt3A = vector.broadcast %squeeze3A : i32 to vector<16xi32>
        %lt3A_51 = arith.cmpi slt, %add3A_50, %lt3A : vector<16xi32>
        %shift_right_arithmetic3A = arith.constant 9 : i32
        %shift_right_arithmetic3A_52 = vector.broadcast %shift_right_arithmetic3A : i32 to vector<16xi32>
        %shift_right_arithmetic3A_53 = arith.shrsi %get3A_46, %shift_right_arithmetic3A_52 : vector<16xi32>
        %and3A = arith.constant 511 : i32
        %and3A_54 = vector.broadcast %and3A : i32 to vector<16xi32>
        %and3A_55 = arith.andi %get3A_46, %and3A_54 : vector<16xi32>
        %shift_right_arithmetic3A_56 = arith.constant 1 : i32
        %shift_right_arithmetic3A_57 = vector.broadcast %shift_right_arithmetic3A_56 : i32 to vector<16xi32>
        %shift_right_arithmetic3A_58 = arith.shrsi %shift_right_arithmetic3A_53, %shift_right_arithmetic3A_57 : vector<16xi32>
        %shift_right_arithmetic3A_59 = arith.constant 1 : i32
        %shift_right_arithmetic3A_60 = vector.broadcast %shift_right_arithmetic3A_59 : i32 to vector<16xi32>
        %shift_right_arithmetic3A_61 = arith.shrsi %and3A_55, %shift_right_arithmetic3A_60 : vector<16xi32>
        %mul3A_62 = arith.constant 160 : i32
        %mul3A_63 = arith.muli %mul3A_62, %add3A : i32
        %add3A_64 = vector.broadcast %mul3A_63 : i32 to vector<16xi32>
        %add3A_65 = arith.addi %shift_right_arithmetic3A_61, %add3A_64 : vector<16xi32>
        %ne3A = arith.cmpi ne, %shift_right_arithmetic3A_58, %add3A_65 : vector<16xi32>
        %and3A_66 = arith.andi %lt3A_51, %ne3A : vector<16xi1>
        %shift_right_arithmetic3A_67 = arith.constant 1 : i32
        %shift_right_arithmetic3A_68 = vector.broadcast %shift_right_arithmetic3A_67 : i32 to vector<16xi32>
        %shift_right_arithmetic3A_69 = arith.shrsi %and3A_55, %shift_right_arithmetic3A_68 : vector<16xi32>
        %mul3A_70 = arith.constant 8 : i32
        %mul3A_71 = arith.muli %scan3A_30, %mul3A_70 : i32
        %sub3A = vector.broadcast %mul3A_71 : i32 to vector<16xi32>
        %sub3A_72 = arith.subi %shift_right_arithmetic3A_69, %sub3A : vector<16xi32>
        %shift_right_arithmetic3A_73 = arith.constant 1 : i32
        %shift_right_arithmetic3A_74 = vector.broadcast %shift_right_arithmetic3A_73 : i32 to vector<16xi32>
        %shift_right_arithmetic3A_75 = arith.shrsi %shift_right_arithmetic3A_53, %shift_right_arithmetic3A_74 : vector<16xi32>
        %ge3A = arith.constant 0 : i32
        %ge3A_76 = vector.broadcast %ge3A : i32 to vector<16xi32>
        %ge3A_77 = arith.cmpi sge, %sub3A_72, %ge3A_76 : vector<16xi32>
        %and3A_78 = arith.andi %and3A_66, %ge3A_77 : vector<16xi1>
        %lt3A_79 = arith.constant 8 : i32
        %lt3A_80 = vector.broadcast %lt3A_79 : i32 to vector<16xi32>
        %lt3A_81 = arith.cmpi slt, %sub3A_72, %lt3A_80 : vector<16xi32>
        %and3A_82 = arith.andi %and3A_78, %lt3A_81 : vector<16xi1>
        %mul3A_83 = arith.constant 5120 : i32
        %mul3A_84 = vector.broadcast %mul3A_83 : i32 to vector<16xi32>
        %mul3A_85 = arith.muli %sub3A_72, %mul3A_84 : vector<16xi32>
        %add3A_86 = arith.addi %mul3A_85, %shift_right_arithmetic3A_75 : vector<16xi32>
        %jit3A = arith.constant 40960 : i32
        %broadcast_in_dim3A_87 = vector.broadcast %jit3A : i32 to vector<16xi32>
        %select_n3A = arith.select %and3A_82, %add3A_86, %broadcast_in_dim3A_87 : vector<16xi1>, vector<16xi32>
        tpu.vector_store_idx %arg11[%select_n3A], %broadcast_in_dim3A_6 {add = true} : memref<40976xf32, #tpu.memory_space<vmem>>[vector<16xi32>], vector<16xf32>,
      }
      %scan3A_36 = arith.constant 360 : i32
      %mul3A_37 = arith.constant 819200 : i32
      %mul3A_38 = arith.muli %add3A, %mul3A_37 : i32
      %mul3A_39 = arith.constant 40960 : i32
      %mul3A_40 = arith.muli %scan3A_30, %mul3A_39 : i32
      %add3A_41 = arith.addi %mul3A_38, %mul3A_40 : i32
      "tpu.region"() ({
        %run_scoped3A = tpu.sem_alloc : memref<!tpu.dma_semaphore, #tpu.memory_space<semaphore_mem>>
        %dma_start3A = arith.constant 0 : i32
        %dma_start3A_42 = tpu.memref_slice %arg11[%dma_start3A] : memref<40976xf32, #tpu.memory_space<vmem>> -> memref<40960xf32, #tpu.memory_space<vmem>>
        %dma_start3A_43 = tpu.memref_slice %arg6[%add3A_41] : memref<26214400xf32, #tpu.memory_space<hbm>> -> memref<40960xf32, #tpu.memory_space<hbm>>
        %dma_start3A_44 = tpu.memref_slice %arg6[%add3A_41] : memref<26214400xf32, #tpu.memory_space<hbm>> -> memref<40960xf32, #tpu.memory_space<hbm>>
        %dma_start3A_45 = arith.constant 0 : i32
        %dma_start3A_46 = tpu.memref_slice %arg11[%dma_start3A_45] : memref<40976xf32, #tpu.memory_space<vmem>> -> memref<40960xf32, #tpu.memory_space<vmem>>
        tpu.enqueue_dma source(%dma_start3A_46 : memref<40960xf32, #tpu.memory_space<vmem>>) target(%dma_start3A_44 : memref<40960xf32, #tpu.memory_space<hbm>>) target_semaphore(%run_scoped3A : memref<!tpu.dma_semaphore, #tpu.memory_space<semaphore_mem>>)
        %dma_wait3A = arith.constant 0 : i32
        %dma_wait3A_47 = tpu.memref_slice %arg11[%dma_wait3A] : memref<40976xf32, #tpu.memory_space<vmem>> -> memref<40960xf32, #tpu.memory_space<vmem>>
        %dma_wait3A_48 = tpu.memref_slice %arg6[%add3A_41] : memref<26214400xf32, #tpu.memory_space<hbm>> -> memref<40960xf32, #tpu.memory_space<hbm>>
        %dma_wait3A_49 = tpu.memref_slice %arg6[%add3A_41] : memref<26214400xf32, #tpu.memory_space<hbm>> -> memref<40960xf32, #tpu.memory_space<hbm>>
        %dma_wait3A_50 = arith.constant 0 : i32
        %dma_wait3A_51 = tpu.memref_slice %arg11[%dma_wait3A_50] : memref<40976xf32, #tpu.memory_space<vmem>> -> memref<40960xf32, #tpu.memory_space<vmem>>
        tpu.wait_dma2 semaphore(%run_scoped3A : memref<!tpu.dma_semaphore, #tpu.memory_space<semaphore_mem>>) src(%dma_wait3A_51 : memref<40960xf32, #tpu.memory_space<vmem>>) dst(%dma_wait3A_49 : memref<40960xf32, #tpu.memory_space<hbm>>)
        tpu.yield
      }) : () -> ()
    }
    %scan3A_17 = arith.constant 20 : i32
    %scan3A_18 = arith.constant 0 : i32
    %scan3A_19 = arith.constant 0 : i32
    %scan3A_20 = arith.constant 5 : i32
    %scan3A_21 = arith.addi %scan3A_19, %scan3A_20 : i32
    %scan3A_22 = arith.constant 1 : i32
    scf.for %scan3A_30 = %scan3A_19 to %scan3A_21 step %scan3A_22  : i32 {
      "tpu.region"() ({
        %run_scoped3A = tpu.sem_alloc : memref<!tpu.dma_semaphore, #tpu.memory_space<semaphore_mem>>
        %dma_start3A = arith.constant 0 : i32
        %dma_start3A_42 = tpu.memref_slice %arg11[%dma_start3A] : memref<40976xf32, #tpu.memory_space<vmem>> -> memref<40960xf32, #tpu.memory_space<vmem>>
        %dma_start3A_43 = arith.constant 0 : i32
        %dma_start3A_44 = tpu.memref_slice %arg4[%dma_start3A_43] : memref<40960xf32, #tpu.memory_space<hbm>> -> memref<40960xf32, #tpu.memory_space<hbm>>
        %dma_start3A_45 = arith.constant 0 : i32
        %dma_start3A_46 = tpu.memref_slice %arg11[%dma_start3A_45] : memref<40976xf32, #tpu.memory_space<vmem>> -> memref<40960xf32, #tpu.memory_space<vmem>>
        %dma_start3A_47 = arith.constant 0 : i32
        %dma_start3A_48 = tpu.memref_slice %arg4[%dma_start3A_47] : memref<40960xf32, #tpu.memory_space<hbm>> -> memref<40960xf32, #tpu.memory_space<hbm>>
        tpu.enqueue_dma source(%dma_start3A_48 : memref<40960xf32, #tpu.memory_space<hbm>>) target(%dma_start3A_46 : memref<40960xf32, #tpu.memory_space<vmem>>) target_semaphore(%run_scoped3A : memref<!tpu.dma_semaphore, #tpu.memory_space<semaphore_mem>>)
        %dma_wait3A = arith.constant 0 : i32
        %dma_wait3A_49 = tpu.memref_slice %arg11[%dma_wait3A] : memref<40976xf32, #tpu.memory_space<vmem>> -> memref<40960xf32, #tpu.memory_space<vmem>>
        %dma_wait3A_50 = arith.constant 0 : i32
        %dma_wait3A_51 = tpu.memref_slice %arg4[%dma_wait3A_50] : memref<40960xf32, #tpu.memory_space<hbm>> -> memref<40960xf32, #tpu.memory_space<hbm>>
        %dma_wait3A_52 = arith.constant 0 : i32
        %dma_wait3A_53 = tpu.memref_slice %arg11[%dma_wait3A_52] : memref<40976xf32, #tpu.memory_space<vmem>> -> memref<40960xf32, #tpu.memory_space<vmem>>
        %dma_wait3A_54 = arith.constant 0 : i32
        %dma_wait3A_55 = tpu.memref_slice %arg4[%dma_wait3A_54] : memref<40960xf32, #tpu.memory_space<hbm>> -> memref<40960xf32, #tpu.memory_space<hbm>>
        tpu.wait_dma2 semaphore(%run_scoped3A : memref<!tpu.dma_semaphore, #tpu.memory_space<semaphore_mem>>) src(%dma_wait3A_55 : memref<40960xf32, #tpu.memory_space<hbm>>) dst(%dma_wait3A_53 : memref<40960xf32, #tpu.memory_space<vmem>>)
        tpu.yield
      }) : () -> ()
      %scan3A_31 = arith.constant 0 : i32
      %scan3A_32 = arith.constant 0 : i32
      %scan3A_33 = arith.constant 360 : i32
      %scan3A_34 = arith.addi %scan3A_32, %scan3A_33 : i32
      %scan3A_35 = arith.constant 1 : i32
      scf.for %scan3A_42 = %scan3A_32 to %scan3A_34 step %scan3A_35  : i32 {
        %mul3A_43 = arith.constant 16 : i32
        %mul3A_44 = arith.muli %scan3A_42, %mul3A_43 : i32
        %get3A_45 = arith.index_cast %mul3A_44 : i32 to index
        %get3A_46 = tpu.vector_load %arg9[%get3A_45] {strides = array<i32>} : memref<5760xi32, #tpu.memory_space<vmem>>, vector<16xi32>,
        %mul3A_47 = arith.constant 16 : i32
        %mul3A_48 = arith.muli %scan3A_42, %mul3A_47 : i32
        %add3A_49 = vector.broadcast %mul3A_48 : i32 to vector<16xi32>
        %add3A_50 = arith.addi %add3A_49, %iota3A : vector<16xi32>
        %lt3A = vector.broadcast %squeeze3A : i32 to vector<16xi32>
        %lt3A_51 = arith.cmpi slt, %add3A_50, %lt3A : vector<16xi32>
        %shift_right_arithmetic3A = arith.constant 9 : i32
        %shift_right_arithmetic3A_52 = vector.broadcast %shift_right_arithmetic3A : i32 to vector<16xi32>
        %shift_right_arithmetic3A_53 = arith.shrsi %get3A_46, %shift_right_arithmetic3A_52 : vector<16xi32>
        %and3A = arith.constant 511 : i32
        %and3A_54 = vector.broadcast %and3A : i32 to vector<16xi32>
        %and3A_55 = arith.andi %get3A_46, %and3A_54 : vector<16xi32>
        %shift_right_arithmetic3A_56 = arith.constant 1 : i32
        %shift_right_arithmetic3A_57 = vector.broadcast %shift_right_arithmetic3A_56 : i32 to vector<16xi32>
        %shift_right_arithmetic3A_58 = arith.shrsi %shift_right_arithmetic3A_53, %shift_right_arithmetic3A_57 : vector<16xi32>
        %shift_right_arithmetic3A_59 = arith.constant 1 : i32
        %shift_right_arithmetic3A_60 = vector.broadcast %shift_right_arithmetic3A_59 : i32 to vector<16xi32>
        %shift_right_arithmetic3A_61 = arith.shrsi %and3A_55, %shift_right_arithmetic3A_60 : vector<16xi32>
        %mul3A_62 = arith.constant 160 : i32
        %mul3A_63 = arith.muli %mul3A_62, %add3A : i32
        %add3A_64 = vector.broadcast %mul3A_63 : i32 to vector<16xi32>
        %add3A_65 = arith.addi %shift_right_arithmetic3A_61, %add3A_64 : vector<16xi32>
        %ne3A = arith.cmpi ne, %shift_right_arithmetic3A_58, %add3A_65 : vector<16xi32>
        %and3A_66 = arith.andi %lt3A_51, %ne3A : vector<16xi1>
        %shift_right_arithmetic3A_67 = arith.constant 2 : i32
        %shift_right_arithmetic3A_68 = vector.broadcast %shift_right_arithmetic3A_67 : i32 to vector<16xi32>
        %shift_right_arithmetic3A_69 = arith.shrsi %shift_right_arithmetic3A_53, %shift_right_arithmetic3A_68 : vector<16xi32>
        %shift_right_arithmetic3A_70 = arith.constant 2 : i32
        %shift_right_arithmetic3A_71 = vector.broadcast %shift_right_arithmetic3A_70 : i32 to vector<16xi32>
        %shift_right_arithmetic3A_72 = arith.shrsi %and3A_55, %shift_right_arithmetic3A_71 : vector<16xi32>
        %mul3A_73 = arith.constant 80 : i32
        %mul3A_74 = arith.muli %mul3A_73, %add3A : i32
        %add3A_75 = vector.broadcast %mul3A_74 : i32 to vector<16xi32>
        %add3A_76 = arith.addi %shift_right_arithmetic3A_72, %add3A_75 : vector<16xi32>
        %ne3A_77 = arith.cmpi ne, %shift_right_arithmetic3A_69, %add3A_76 : vector<16xi32>
        %and3A_78 = arith.andi %and3A_66, %ne3A_77 : vector<16xi1>
        %shift_right_arithmetic3A_79 = arith.constant 2 : i32
        %shift_right_arithmetic3A_80 = vector.broadcast %shift_right_arithmetic3A_79 : i32 to vector<16xi32>
        %shift_right_arithmetic3A_81 = arith.shrsi %and3A_55, %shift_right_arithmetic3A_80 : vector<16xi32>
        %mul3A_82 = arith.constant 16 : i32
        %mul3A_83 = arith.muli %scan3A_30, %mul3A_82 : i32
        %sub3A = vector.broadcast %mul3A_83 : i32 to vector<16xi32>
        %sub3A_84 = arith.subi %shift_right_arithmetic3A_81, %sub3A : vector<16xi32>
        %shift_right_arithmetic3A_85 = arith.constant 2 : i32
        %shift_right_arithmetic3A_86 = vector.broadcast %shift_right_arithmetic3A_85 : i32 to vector<16xi32>
        %shift_right_arithmetic3A_87 = arith.shrsi %shift_right_arithmetic3A_53, %shift_right_arithmetic3A_86 : vector<16xi32>
        %ge3A = arith.constant 0 : i32
        %ge3A_88 = vector.broadcast %ge3A : i32 to vector<16xi32>
        %ge3A_89 = arith.cmpi sge, %sub3A_84, %ge3A_88 : vector<16xi32>
        %and3A_90 = arith.andi %and3A_78, %ge3A_89 : vector<16xi1>
        %lt3A_91 = arith.constant 16 : i32
        %lt3A_92 = vector.broadcast %lt3A_91 : i32 to vector<16xi32>
        %lt3A_93 = arith.cmpi slt, %sub3A_84, %lt3A_92 : vector<16xi32>
        %and3A_94 = arith.andi %and3A_90, %lt3A_93 : vector<16xi1>
        %mul3A_95 = arith.constant 2560 : i32
        %mul3A_96 = vector.broadcast %mul3A_95 : i32 to vector<16xi32>
        %mul3A_97 = arith.muli %sub3A_84, %mul3A_96 : vector<16xi32>
        %add3A_98 = arith.addi %mul3A_97, %shift_right_arithmetic3A_87 : vector<16xi32>
        %jit3A = arith.constant 40960 : i32
        %broadcast_in_dim3A_99 = vector.broadcast %jit3A : i32 to vector<16xi32>
        %select_n3A = arith.select %and3A_94, %add3A_98, %broadcast_in_dim3A_99 : vector<16xi1>, vector<16xi32>
        tpu.vector_store_idx %arg11[%select_n3A], %broadcast_in_dim3A_6 {add = true} : memref<40976xf32, #tpu.memory_space<vmem>>[vector<16xi32>], vector<16xf32>,
      }
      %scan3A_36 = arith.constant 360 : i32
      %mul3A_37 = arith.constant 204800 : i32
      %mul3A_38 = arith.muli %add3A, %mul3A_37 : i32
      %mul3A_39 = arith.constant 40960 : i32
      %mul3A_40 = arith.muli %scan3A_30, %mul3A_39 : i32
      %add3A_41 = arith.addi %mul3A_38, %mul3A_40 : i32
      "tpu.region"() ({
        %run_scoped3A = tpu.sem_alloc : memref<!tpu.dma_semaphore, #tpu.memory_space<semaphore_mem>>
        %dma_start3A = arith.constant 0 : i32
        %dma_start3A_42 = tpu.memref_slice %arg11[%dma_start3A] : memref<40976xf32, #tpu.memory_space<vmem>> -> memref<40960xf32, #tpu.memory_space<vmem>>
        %dma_start3A_43 = tpu.memref_slice %arg7[%add3A_41] : memref<6553600xf32, #tpu.memory_space<hbm>> -> memref<40960xf32, #tpu.memory_space<hbm>>
        %dma_start3A_44 = tpu.memref_slice %arg7[%add3A_41] : memref<6553600xf32, #tpu.memory_space<hbm>> -> memref<40960xf32, #tpu.memory_space<hbm>>
        %dma_start3A_45 = arith.constant 0 : i32
        %dma_start3A_46 = tpu.memref_slice %arg11[%dma_start3A_45] : memref<40976xf32, #tpu.memory_space<vmem>> -> memref<40960xf32, #tpu.memory_space<vmem>>
        tpu.enqueue_dma source(%dma_start3A_46 : memref<40960xf32, #tpu.memory_space<vmem>>) target(%dma_start3A_44 : memref<40960xf32, #tpu.memory_space<hbm>>) target_semaphore(%run_scoped3A : memref<!tpu.dma_semaphore, #tpu.memory_space<semaphore_mem>>)
        %dma_wait3A = arith.constant 0 : i32
        %dma_wait3A_47 = tpu.memref_slice %arg11[%dma_wait3A] : memref<40976xf32, #tpu.memory_space<vmem>> -> memref<40960xf32, #tpu.memory_space<vmem>>
        %dma_wait3A_48 = tpu.memref_slice %arg7[%add3A_41] : memref<6553600xf32, #tpu.memory_space<hbm>> -> memref<40960xf32, #tpu.memory_space<hbm>>
        %dma_wait3A_49 = tpu.memref_slice %arg7[%add3A_41] : memref<6553600xf32, #tpu.memory_space<hbm>> -> memref<40960xf32, #tpu.memory_space<hbm>>
        %dma_wait3A_50 = arith.constant 0 : i32
        %dma_wait3A_51 = tpu.memref_slice %arg11[%dma_wait3A_50] : memref<40976xf32, #tpu.memory_space<vmem>> -> memref<40960xf32, #tpu.memory_space<vmem>>
        tpu.wait_dma2 semaphore(%run_scoped3A : memref<!tpu.dma_semaphore, #tpu.memory_space<semaphore_mem>>) src(%dma_wait3A_51 : memref<40960xf32, #tpu.memory_space<vmem>>) dst(%dma_wait3A_49 : memref<40960xf32, #tpu.memory_space<hbm>>)
        tpu.yield
      }) : () -> ()
    }
    %scan3A_23 = arith.constant 5 : i32
    %scan3A_24 = arith.constant 0 : i32
    %scan3A_25 = arith.constant 0 : i32
    %scan3A_26 = arith.constant 2 : i32
    %scan3A_27 = arith.addi %scan3A_25, %scan3A_26 : i32
    %scan3A_28 = arith.constant 1 : i32
    scf.for %scan3A_30 = %scan3A_25 to %scan3A_27 step %scan3A_28  : i32 {
      "tpu.region"() ({
        %run_scoped3A = tpu.sem_alloc : memref<!tpu.dma_semaphore, #tpu.memory_space<semaphore_mem>>
        %dma_start3A = arith.constant 0 : i32
        %dma_start3A_42 = tpu.memref_slice %arg11[%dma_start3A] : memref<40976xf32, #tpu.memory_space<vmem>> -> memref<25600xf32, #tpu.memory_space<vmem>>
        %dma_start3A_43 = arith.constant 0 : i32
        %dma_start3A_44 = tpu.memref_slice %arg4[%dma_start3A_43] : memref<40960xf32, #tpu.memory_space<hbm>> -> memref<25600xf32, #tpu.memory_space<hbm>>
        %dma_start3A_45 = arith.constant 0 : i32
        %dma_start3A_46 = tpu.memref_slice %arg11[%dma_start3A_45] : memref<40976xf32, #tpu.memory_space<vmem>> -> memref<25600xf32, #tpu.memory_space<vmem>>
        %dma_start3A_47 = arith.constant 0 : i32
        %dma_start3A_48 = tpu.memref_slice %arg4[%dma_start3A_47] : memref<40960xf32, #tpu.memory_space<hbm>> -> memref<25600xf32, #tpu.memory_space<hbm>>
        tpu.enqueue_dma source(%dma_start3A_48 : memref<25600xf32, #tpu.memory_space<hbm>>) target(%dma_start3A_46 : memref<25600xf32, #tpu.memory_space<vmem>>) target_semaphore(%run_scoped3A : memref<!tpu.dma_semaphore, #tpu.memory_space<semaphore_mem>>)
        %dma_wait3A = arith.constant 0 : i32
        %dma_wait3A_49 = tpu.memref_slice %arg11[%dma_wait3A] : memref<40976xf32, #tpu.memory_space<vmem>> -> memref<25600xf32, #tpu.memory_space<vmem>>
        %dma_wait3A_50 = arith.constant 0 : i32
        %dma_wait3A_51 = tpu.memref_slice %arg4[%dma_wait3A_50] : memref<40960xf32, #tpu.memory_space<hbm>> -> memref<25600xf32, #tpu.memory_space<hbm>>
        %dma_wait3A_52 = arith.constant 0 : i32
        %dma_wait3A_53 = tpu.memref_slice %arg11[%dma_wait3A_52] : memref<40976xf32, #tpu.memory_space<vmem>> -> memref<25600xf32, #tpu.memory_space<vmem>>
        %dma_wait3A_54 = arith.constant 0 : i32
        %dma_wait3A_55 = tpu.memref_slice %arg4[%dma_wait3A_54] : memref<40960xf32, #tpu.memory_space<hbm>> -> memref<25600xf32, #tpu.memory_space<hbm>>
        tpu.wait_dma2 semaphore(%run_scoped3A : memref<!tpu.dma_semaphore, #tpu.memory_space<semaphore_mem>>) src(%dma_wait3A_55 : memref<25600xf32, #tpu.memory_space<hbm>>) dst(%dma_wait3A_53 : memref<25600xf32, #tpu.memory_space<vmem>>)
        tpu.yield
      }) : () -> ()
      %scan3A_31 = arith.constant 0 : i32
      %scan3A_32 = arith.constant 0 : i32
      %scan3A_33 = arith.constant 360 : i32
      %scan3A_34 = arith.addi %scan3A_32, %scan3A_33 : i32
      %scan3A_35 = arith.constant 1 : i32
      scf.for %scan3A_42 = %scan3A_32 to %scan3A_34 step %scan3A_35  : i32 {
        %mul3A_43 = arith.constant 16 : i32
        %mul3A_44 = arith.muli %scan3A_42, %mul3A_43 : i32
        %get3A_45 = arith.index_cast %mul3A_44 : i32 to index
        %get3A_46 = tpu.vector_load %arg9[%get3A_45] {strides = array<i32>} : memref<5760xi32, #tpu.memory_space<vmem>>, vector<16xi32>,
        %mul3A_47 = arith.constant 16 : i32
        %mul3A_48 = arith.muli %scan3A_42, %mul3A_47 : i32
        %add3A_49 = vector.broadcast %mul3A_48 : i32 to vector<16xi32>
        %add3A_50 = arith.addi %add3A_49, %iota3A : vector<16xi32>
        %lt3A = vector.broadcast %squeeze3A : i32 to vector<16xi32>
        %lt3A_51 = arith.cmpi slt, %add3A_50, %lt3A : vector<16xi32>
        %shift_right_arithmetic3A = arith.constant 9 : i32
        %shift_right_arithmetic3A_52 = vector.broadcast %shift_right_arithmetic3A : i32 to vector<16xi32>
        %shift_right_arithmetic3A_53 = arith.shrsi %get3A_46, %shift_right_arithmetic3A_52 : vector<16xi32>
        %and3A = arith.constant 511 : i32
        %and3A_54 = vector.broadcast %and3A : i32 to vector<16xi32>
        %and3A_55 = arith.andi %get3A_46, %and3A_54 : vector<16xi32>
        %shift_right_arithmetic3A_56 = arith.constant 1 : i32
        %shift_right_arithmetic3A_57 = vector.broadcast %shift_right_arithmetic3A_56 : i32 to vector<16xi32>
        %shift_right_arithmetic3A_58 = arith.shrsi %shift_right_arithmetic3A_53, %shift_right_arithmetic3A_57 : vector<16xi32>
        %shift_right_arithmetic3A_59 = arith.constant 1 : i32
        %shift_right_arithmetic3A_60 = vector.broadcast %shift_right_arithmetic3A_59 : i32 to vector<16xi32>
        %shift_right_arithmetic3A_61 = arith.shrsi %and3A_55, %shift_right_arithmetic3A_60 : vector<16xi32>
        %mul3A_62 = arith.constant 160 : i32
        %mul3A_63 = arith.muli %mul3A_62, %add3A : i32
        %add3A_64 = vector.broadcast %mul3A_63 : i32 to vector<16xi32>
        %add3A_65 = arith.addi %shift_right_arithmetic3A_61, %add3A_64 : vector<16xi32>
        %ne3A = arith.cmpi ne, %shift_right_arithmetic3A_58, %add3A_65 : vector<16xi32>
        %and3A_66 = arith.andi %lt3A_51, %ne3A : vector<16xi1>
        %shift_right_arithmetic3A_67 = arith.constant 2 : i32
        %shift_right_arithmetic3A_68 = vector.broadcast %shift_right_arithmetic3A_67 : i32 to vector<16xi32>
        %shift_right_arithmetic3A_69 = arith.shrsi %shift_right_arithmetic3A_53, %shift_right_arithmetic3A_68 : vector<16xi32>
        %shift_right_arithmetic3A_70 = arith.constant 2 : i32
        %shift_right_arithmetic3A_71 = vector.broadcast %shift_right_arithmetic3A_70 : i32 to vector<16xi32>
        %shift_right_arithmetic3A_72 = arith.shrsi %and3A_55, %shift_right_arithmetic3A_71 : vector<16xi32>
        %mul3A_73 = arith.constant 80 : i32
        %mul3A_74 = arith.muli %mul3A_73, %add3A : i32
        %add3A_75 = vector.broadcast %mul3A_74 : i32 to vector<16xi32>
        %add3A_76 = arith.addi %shift_right_arithmetic3A_72, %add3A_75 : vector<16xi32>
        %ne3A_77 = arith.cmpi ne, %shift_right_arithmetic3A_69, %add3A_76 : vector<16xi32>
        %and3A_78 = arith.andi %and3A_66, %ne3A_77 : vector<16xi1>
        %shift_right_arithmetic3A_79 = arith.constant 3 : i32
        %shift_right_arithmetic3A_80 = vector.broadcast %shift_right_arithmetic3A_79 : i32 to vector<16xi32>
        %shift_right_arithmetic3A_81 = arith.shrsi %shift_right_arithmetic3A_53, %shift_right_arithmetic3A_80 : vector<16xi32>
        %shift_right_arithmetic3A_82 = arith.constant 3 : i32
        %shift_right_arithmetic3A_83 = vector.broadcast %shift_right_arithmetic3A_82 : i32 to vector<16xi32>
        %shift_right_arithmetic3A_84 = arith.shrsi %and3A_55, %shift_right_arithmetic3A_83 : vector<16xi32>
        %mul3A_85 = arith.constant 40 : i32
        %mul3A_86 = arith.muli %mul3A_85, %add3A : i32
        %add3A_87 = vector.broadcast %mul3A_86 : i32 to vector<16xi32>
        %add3A_88 = arith.addi %shift_right_arithmetic3A_84, %add3A_87 : vector<16xi32>
        %ne3A_89 = arith.cmpi ne, %shift_right_arithmetic3A_81, %add3A_88 : vector<16xi32>
        %and3A_90 = arith.andi %and3A_78, %ne3A_89 : vector<16xi1>
        %shift_right_arithmetic3A_91 = arith.constant 3 : i32
        %shift_right_arithmetic3A_92 = vector.broadcast %shift_right_arithmetic3A_91 : i32 to vector<16xi32>
        %shift_right_arithmetic3A_93 = arith.shrsi %and3A_55, %shift_right_arithmetic3A_92 : vector<16xi32>
        %mul3A_94 = arith.constant 20 : i32
        %mul3A_95 = arith.muli %scan3A_30, %mul3A_94 : i32
        %sub3A = vector.broadcast %mul3A_95 : i32 to vector<16xi32>
        %sub3A_96 = arith.subi %shift_right_arithmetic3A_93, %sub3A : vector<16xi32>
        %shift_right_arithmetic3A_97 = arith.constant 3 : i32
        %shift_right_arithmetic3A_98 = vector.broadcast %shift_right_arithmetic3A_97 : i32 to vector<16xi32>
        %shift_right_arithmetic3A_99 = arith.shrsi %shift_right_arithmetic3A_53, %shift_right_arithmetic3A_98 : vector<16xi32>
        %ge3A = arith.constant 0 : i32
        %ge3A_100 = vector.broadcast %ge3A : i32 to vector<16xi32>
        %ge3A_101 = arith.cmpi sge, %sub3A_96, %ge3A_100 : vector<16xi32>
        %and3A_102 = arith.andi %and3A_90, %ge3A_101 : vector<16xi1>
        %lt3A_103 = arith.constant 20 : i32
        %lt3A_104 = vector.broadcast %lt3A_103 : i32 to vector<16xi32>
        %lt3A_105 = arith.cmpi slt, %sub3A_96, %lt3A_104 : vector<16xi32>
        %and3A_106 = arith.andi %and3A_102, %lt3A_105 : vector<16xi1>
        %mul3A_107 = arith.constant 1280 : i32
        %mul3A_108 = vector.broadcast %mul3A_107 : i32 to vector<16xi32>
        %mul3A_109 = arith.muli %sub3A_96, %mul3A_108 : vector<16xi32>
        %add3A_110 = arith.addi %mul3A_109, %shift_right_arithmetic3A_99 : vector<16xi32>
        %jit3A = arith.constant 40960 : i32
        %broadcast_in_dim3A_111 = vector.broadcast %jit3A : i32 to vector<16xi32>
        %select_n3A = arith.select %and3A_106, %add3A_110, %broadcast_in_dim3A_111 : vector<16xi1>, vector<16xi32>
        tpu.vector_store_idx %arg11[%select_n3A], %broadcast_in_dim3A_6 {add = true} : memref<40976xf32, #tpu.memory_space<vmem>>[vector<16xi32>], vector<16xf32>,
      }
      %scan3A_36 = arith.constant 360 : i32
      %mul3A_37 = arith.constant 51200 : i32
      %mul3A_38 = arith.muli %add3A, %mul3A_37 : i32
      %mul3A_39 = arith.constant 25600 : i32
      %mul3A_40 = arith.muli %scan3A_30, %mul3A_39 : i32
      %add3A_41 = arith.addi %mul3A_38, %mul3A_40 : i32
      "tpu.region"() ({
        %run_scoped3A = tpu.sem_alloc : memref<!tpu.dma_semaphore, #tpu.memory_space<semaphore_mem>>
        %dma_start3A = arith.constant 0 : i32
        %dma_start3A_42 = tpu.memref_slice %arg11[%dma_start3A] : memref<40976xf32, #tpu.memory_space<vmem>> -> memref<25600xf32, #tpu.memory_space<vmem>>
        %dma_start3A_43 = tpu.memref_slice %arg8[%add3A_41] : memref<1638400xf32, #tpu.memory_space<hbm>> -> memref<25600xf32, #tpu.memory_space<hbm>>
        %dma_start3A_44 = tpu.memref_slice %arg8[%add3A_41] : memref<1638400xf32, #tpu.memory_space<hbm>> -> memref<25600xf32, #tpu.memory_space<hbm>>
        %dma_start3A_45 = arith.constant 0 : i32
        %dma_start3A_46 = tpu.memref_slice %arg11[%dma_start3A_45] : memref<40976xf32, #tpu.memory_space<vmem>> -> memref<25600xf32, #tpu.memory_space<vmem>>
        tpu.enqueue_dma source(%dma_start3A_46 : memref<25600xf32, #tpu.memory_space<vmem>>) target(%dma_start3A_44 : memref<25600xf32, #tpu.memory_space<hbm>>) target_semaphore(%run_scoped3A : memref<!tpu.dma_semaphore, #tpu.memory_space<semaphore_mem>>)
        %dma_wait3A = arith.constant 0 : i32
        %dma_wait3A_47 = tpu.memref_slice %arg11[%dma_wait3A] : memref<40976xf32, #tpu.memory_space<vmem>> -> memref<25600xf32, #tpu.memory_space<vmem>>
        %dma_wait3A_48 = tpu.memref_slice %arg8[%add3A_41] : memref<1638400xf32, #tpu.memory_space<hbm>> -> memref<25600xf32, #tpu.memory_space<hbm>>
        %dma_wait3A_49 = tpu.memref_slice %arg8[%add3A_41] : memref<1638400xf32, #tpu.memory_space<hbm>> -> memref<25600xf32, #tpu.memory_space<hbm>>
        %dma_wait3A_50 = arith.constant 0 : i32
        %dma_wait3A_51 = tpu.memref_slice %arg11[%dma_wait3A_50] : memref<40976xf32, #tpu.memory_space<vmem>> -> memref<25600xf32, #tpu.memory_space<vmem>>
        tpu.wait_dma2 semaphore(%run_scoped3A : memref<!tpu.dma_semaphore, #tpu.memory_space<semaphore_mem>>) src(%dma_wait3A_51 : memref<25600xf32, #tpu.memory_space<vmem>>) dst(%dma_wait3A_49 : memref<25600xf32, #tpu.memory_space<hbm>>)
        tpu.yield
      }) : () -> ()
    }
    %scan3A_29 = arith.constant 2 : i32
    return
  }
}

#map = affine_map<(d0, d1) -> (0)>
module attributes {stable_mosaic.version = 14 : i64} {
  func.func @_sc_part_body(%arg0: i32, %arg1: i32, %arg2: memref<160000xi32, #tpu.memory_space<hbm>>, %arg3: memref<160000xi32, #tpu.memory_space<hbm>>, %arg4: memref<184320xi32, #tpu.memory_space<hbm>>, %arg5: memref<512xi32, #tpu.memory_space<hbm>>, %arg6: memref<4000xi32, #tpu.memory_space<vmem>>, %arg7: memref<4000xi32, #tpu.memory_space<vmem>>, %arg8: memref<4000xi32, #tpu.memory_space<vmem>>, %arg9: memref<4000xi32, #tpu.memory_space<vmem>>, %arg10: memref<5760xi32, #tpu.memory_space<vmem>>, %arg11: memref<16xi32, #tpu.memory_space<vmem>>, %arg12: memref<!tpu.dma_semaphore, #tpu.memory_space<semaphore_mem>>, %arg13: memref<!tpu.dma_semaphore, #tpu.memory_space<semaphore_mem>>) attributes {dimension_semantics = [#tpu.dimension_semantics<core_parallel>, #tpu.dimension_semantics<subcore_parallel>], iteration_bounds = array<i64: 2, 16>, scalar_prefetch = 0 : i64, scratch_operands = 8 : i64, tpu.core_type = #tpu.core_type<sc_vector_subcore>, window_params = [{transform_indices = #map}, {transform_indices = #map}, {transform_indices = #map}, {transform_indices = #map}]} {
    %mul3A = arith.constant 16 : i32
    %mul3A_0 = arith.muli %arg0, %mul3A : i32
    %add3A = arith.addi %mul3A_0, %arg1 : i32
    %mul3A_1 = arith.constant 320 : i32
    %mul3A_2 = arith.muli %add3A, %mul3A_1 : i32
    %dma_start3A = arith.constant 0 : i32
    %dma_start3A_3 = tpu.memref_slice %arg2[%dma_start3A] : memref<160000xi32, #tpu.memory_space<hbm>> -> memref<4000xi32, #tpu.memory_space<hbm>>
    %dma_start3A_4 = arith.constant 0 : i32
    %dma_start3A_5 = tpu.memref_slice %arg2[%dma_start3A_4] : memref<160000xi32, #tpu.memory_space<hbm>> -> memref<4000xi32, #tpu.memory_space<hbm>>
    tpu.enqueue_dma source(%dma_start3A_5 : memref<4000xi32, #tpu.memory_space<hbm>>) target(%arg6 : memref<4000xi32, #tpu.memory_space<vmem>>) target_semaphore(%arg12 : memref<!tpu.dma_semaphore, #tpu.memory_space<semaphore_mem>>)
    %dma_start3A_6 = arith.constant 0 : i32
    %dma_start3A_7 = tpu.memref_slice %arg3[%dma_start3A_6] : memref<160000xi32, #tpu.memory_space<hbm>> -> memref<4000xi32, #tpu.memory_space<hbm>>
    %dma_start3A_8 = arith.constant 0 : i32
    %dma_start3A_9 = tpu.memref_slice %arg3[%dma_start3A_8] : memref<160000xi32, #tpu.memory_space<hbm>> -> memref<4000xi32, #tpu.memory_space<hbm>>
    tpu.enqueue_dma source(%dma_start3A_9 : memref<4000xi32, #tpu.memory_space<hbm>>) target(%arg7 : memref<4000xi32, #tpu.memory_space<vmem>>) target_semaphore(%arg12 : memref<!tpu.dma_semaphore, #tpu.memory_space<semaphore_mem>>)
    %dma_start3A_10 = arith.constant 4000 : i32
    %dma_start3A_11 = tpu.memref_slice %arg2[%dma_start3A_10] : memref<160000xi32, #tpu.memory_space<hbm>> -> memref<4000xi32, #tpu.memory_space<hbm>>
    %dma_start3A_12 = arith.constant 4000 : i32
    %dma_start3A_13 = tpu.memref_slice %arg2[%dma_start3A_12] : memref<160000xi32, #tpu.memory_space<hbm>> -> memref<4000xi32, #tpu.memory_space<hbm>>
    tpu.enqueue_dma source(%dma_start3A_13 : memref<4000xi32, #tpu.memory_space<hbm>>) target(%arg8 : memref<4000xi32, #tpu.memory_space<vmem>>) target_semaphore(%arg13 : memref<!tpu.dma_semaphore, #tpu.memory_space<semaphore_mem>>)
    %dma_start3A_14 = arith.constant 4000 : i32
    %dma_start3A_15 = tpu.memref_slice %arg3[%dma_start3A_14] : memref<160000xi32, #tpu.memory_space<hbm>> -> memref<4000xi32, #tpu.memory_space<hbm>>
    %dma_start3A_16 = arith.constant 4000 : i32
    %dma_start3A_17 = tpu.memref_slice %arg3[%dma_start3A_16] : memref<160000xi32, #tpu.memory_space<hbm>> -> memref<4000xi32, #tpu.memory_space<hbm>>
    tpu.enqueue_dma source(%dma_start3A_17 : memref<4000xi32, #tpu.memory_space<hbm>>) target(%arg9 : memref<4000xi32, #tpu.memory_space<vmem>>) target_semaphore(%arg13 : memref<!tpu.dma_semaphore, #tpu.memory_space<semaphore_mem>>)
    %scan3A = arith.constant 0 : i32
    %scan3A_18 = arith.constant 0 : i32
    %scan3A_19 = arith.constant 20 : i32
    %scan3A_20 = arith.addi %scan3A_18, %scan3A_19 : i32
    %scan3A_21 = arith.constant 1 : i32
    %scan3A_22 = scf.for %scan3A_56 = %scan3A_18 to %scan3A_20 step %scan3A_21 iter_args(%scan3A_57 = %scan3A) -> (i32)  : i32 {
      %mul3A_58 = arith.constant 2 : i32
      %mul3A_59 = arith.muli %mul3A_58, %scan3A_56 : i32
      %dma_wait3A = arith.constant 0 : i32
      %dma_wait3A_60 = tpu.memref_slice %arg2[%dma_wait3A] : memref<160000xi32, #tpu.memory_space<hbm>> -> memref<4000xi32, #tpu.memory_space<hbm>>
      %dma_wait3A_61 = arith.constant 0 : i32
      %dma_wait3A_62 = tpu.memref_slice %arg2[%dma_wait3A_61] : memref<160000xi32, #tpu.memory_space<hbm>> -> memref<4000xi32, #tpu.memory_space<hbm>>
      tpu.wait_dma2 semaphore(%arg12 : memref<!tpu.dma_semaphore, #tpu.memory_space<semaphore_mem>>) src(%dma_wait3A_62 : memref<4000xi32, #tpu.memory_space<hbm>>) dst(%arg6 : memref<4000xi32, #tpu.memory_space<vmem>>)
      %dma_wait3A_63 = arith.constant 0 : i32
      %dma_wait3A_64 = tpu.memref_slice %arg2[%dma_wait3A_63] : memref<160000xi32, #tpu.memory_space<hbm>> -> memref<4000xi32, #tpu.memory_space<hbm>>
      %dma_wait3A_65 = arith.constant 0 : i32
      %dma_wait3A_66 = tpu.memref_slice %arg2[%dma_wait3A_65] : memref<160000xi32, #tpu.memory_space<hbm>> -> memref<4000xi32, #tpu.memory_space<hbm>>
      tpu.wait_dma2 semaphore(%arg12 : memref<!tpu.dma_semaphore, #tpu.memory_space<semaphore_mem>>) src(%dma_wait3A_66 : memref<4000xi32, #tpu.memory_space<hbm>>) dst(%arg6 : memref<4000xi32, #tpu.memory_space<vmem>>)
      %scan3A_67 = arith.constant 0 : i32
      %scan3A_68 = arith.constant 250 : i32
      %scan3A_69 = arith.addi %scan3A_67, %scan3A_68 : i32
      %scan3A_70 = arith.constant 1 : i32
      %scan3A_71 = scf.for %scan3A_98 = %scan3A_67 to %scan3A_69 step %scan3A_70 iter_args(%scan3A_99 = %scan3A_57) -> (i32)  : i32 {
        %mul3A_100 = arith.constant 16 : i32
        %mul3A_101 = arith.muli %scan3A_98, %mul3A_100 : i32
        %get3A = arith.index_cast %mul3A_101 : i32 to index
        %get3A_102 = tpu.vector_load %arg7[%get3A] {strides = array<i32>} : memref<4000xi32, #tpu.memory_space<vmem>>, vector<16xi32>,
        %get3A_103 = arith.index_cast %mul3A_101 : i32 to index
        %get3A_104 = tpu.vector_load %arg6[%get3A_103] {strides = array<i32>} : memref<4000xi32, #tpu.memory_space<vmem>>, vector<16xi32>,
        %sub3A = vector.broadcast %mul3A_2 : i32 to vector<16xi32>
        %sub3A_105 = arith.subi %get3A_102, %sub3A : vector<16xi32>
        %ge3A = arith.constant 0 : i32
        %ge3A_106 = vector.broadcast %ge3A : i32 to vector<16xi32>
        %ge3A_107 = arith.cmpi sge, %sub3A_105, %ge3A_106 : vector<16xi32>
        %lt3A_108 = arith.constant 320 : i32
        %lt3A_109 = vector.broadcast %lt3A_108 : i32 to vector<16xi32>
        %lt3A_110 = arith.cmpi slt, %sub3A_105, %lt3A_109 : vector<16xi32>
        %and3A = arith.andi %ge3A_107, %lt3A_110 : vector<16xi1>
        %jit3A = arith.constant 0 : i32
        %jit3A_111 = arith.constant 1 : i32
        %broadcast_in_dim3A_112 = vector.broadcast %jit3A : i32 to vector<16xi32>
        %broadcast_in_dim3A_113 = vector.broadcast %jit3A_111 : i32 to vector<16xi32>
        %select_n3A = arith.select %and3A, %broadcast_in_dim3A_112, %broadcast_in_dim3A_113 : vector<16xi1>, vector<16xi32>
        %mul3A_114 = arith.constant 512 : i32
        %mul3A_115 = vector.broadcast %mul3A_114 : i32 to vector<16xi32>
        %mul3A_116 = arith.muli %get3A_104, %mul3A_115 : vector<16xi32>
        %jit3A_117 = arith.constant 320 : i32
        %broadcast_in_dim3A_118 = vector.broadcast %jit3A_117 : i32 to vector<16xi32>
        %select_n3A_119 = arith.select %and3A, %sub3A_105, %broadcast_in_dim3A_118 : vector<16xi1>, vector<16xi32>
        %add3A_120 = arith.addi %mul3A_116, %select_n3A_119 : vector<16xi32>
        %masked_sort3A = arith.constant dense<true> : vector<16xi1>
        %masked_sort3A_121 = arith.constant -2147483648 : i32
        %masked_sort3A_122 = vector.broadcast %masked_sort3A_121 : i32 to vector<16xi32>
        %masked_sort3A_123 = arith.xori %select_n3A, %masked_sort3A_122 : vector<16xi32>
        %masked_sort3A_124, %masked_sort3A_125, %masked_sort3A_126 = tpu.sort %masked_sort3A_123, %add3A_120 masked %masked_sort3A : (vector<16xi32>, vector<16xi32>, vector<16xi1>) -> (vector<16xi1>, vector<16xi32>, vector<16xi32>)
        %masked_sort3A_127 = arith.xori %masked_sort3A_125, %masked_sort3A_122 : vector<16xi32>
        %swap3A_128 = arith.index_cast %scan3A_99 : i32 to index
        %swap3A_129 = tpu.vector_load %arg10[%swap3A_128] {strides = array<i32>} : memref<5760xi32, #tpu.memory_space<vmem>>, vector<16xi32>,
        tpu.vector_store %arg10[%swap3A_128], %masked_sort3A_126 {strides = array<i32>} : memref<5760xi32, #tpu.memory_space<vmem>>, vector<16xi32>,
        %convert_element_type3A_130 = arith.extui %and3A : vector<16xi1> to vector<16xi32>
        %reduce_sum3A = arith.constant true
        %reduce_sum3A_131 = vector.broadcast %reduce_sum3A : i1 to vector<16xi1>
        %reduce_sum3A_132 = tpu.scan <sum>, %convert_element_type3A_130 masked %reduce_sum3A_131 : vector<16xi32>, vector<16xi1> -> vector<16xi32>
        %reduce_sum3A_133 = vector.extract %reduce_sum3A_132[15] : i32 from vector<16xi32>
        %add3A_134 = arith.addi %scan3A_99, %reduce_sum3A_133 : i32
        scf.yield %add3A_134 : i32
      }
      %scan3A_72 = arith.constant 250 : i32
      %add3A_73 = arith.constant 2 : i32
      %add3A_74 = arith.addi %mul3A_59, %add3A_73 : i32
      %lt3A = arith.constant 40 : i32
      %lt3A_75 = arith.cmpi slt, %add3A_74, %lt3A : i32
      %convert_element_type3A = arith.extui %lt3A_75 : i1 to i32
      %cond3A = arith.constant 0 : i32
      %cond3A_76 = arith.cmpi ne, %convert_element_type3A, %cond3A : i32
      scf.if %cond3A_76 {
        %add3A_98 = arith.constant 2 : i32
        %add3A_99 = arith.addi %mul3A_59, %add3A_98 : i32
        %mul3A_100 = arith.constant 4000 : i32
        %mul3A_101 = arith.muli %add3A_99, %mul3A_100 : i32
        %dma_start3A_102 = tpu.memref_slice %arg2[%mul3A_101] : memref<160000xi32, #tpu.memory_space<hbm>> -> memref<4000xi32, #tpu.memory_space<hbm>>
        %dma_start3A_103 = tpu.memref_slice %arg2[%mul3A_101] : memref<160000xi32, #tpu.memory_space<hbm>> -> memref<4000xi32, #tpu.memory_space<hbm>>
        tpu.enqueue_dma source(%dma_start3A_103 : memref<4000xi32, #tpu.memory_space<hbm>>) target(%arg6 : memref<4000xi32, #tpu.memory_space<vmem>>) target_semaphore(%arg12 : memref<!tpu.dma_semaphore, #tpu.memory_space<semaphore_mem>>)
        %mul3A_104 = arith.constant 4000 : i32
        %mul3A_105 = arith.muli %add3A_99, %mul3A_104 : i32
        %dma_start3A_106 = tpu.memref_slice %arg3[%mul3A_105] : memref<160000xi32, #tpu.memory_space<hbm>> -> memref<4000xi32, #tpu.memory_space<hbm>>
        %dma_start3A_107 = tpu.memref_slice %arg3[%mul3A_105] : memref<160000xi32, #tpu.memory_space<hbm>> -> memref<4000xi32, #tpu.memory_space<hbm>>
        tpu.enqueue_dma source(%dma_start3A_107 : memref<4000xi32, #tpu.memory_space<hbm>>) target(%arg7 : memref<4000xi32, #tpu.memory_space<vmem>>) target_semaphore(%arg12 : memref<!tpu.dma_semaphore, #tpu.memory_space<semaphore_mem>>)
      } else {
      }
      %dma_wait3A_77 = arith.constant 0 : i32
      %dma_wait3A_78 = tpu.memref_slice %arg2[%dma_wait3A_77] : memref<160000xi32, #tpu.memory_space<hbm>> -> memref<4000xi32, #tpu.memory_space<hbm>>
      %dma_wait3A_79 = arith.constant 0 : i32
      %dma_wait3A_80 = tpu.memref_slice %arg2[%dma_wait3A_79] : memref<160000xi32, #tpu.memory_space<hbm>> -> memref<4000xi32, #tpu.memory_space<hbm>>
      tpu.wait_dma2 semaphore(%arg13 : memref<!tpu.dma_semaphore, #tpu.memory_space<semaphore_mem>>) src(%dma_wait3A_80 : memref<4000xi32, #tpu.memory_space<hbm>>) dst(%arg8 : memref<4000xi32, #tpu.memory_space<vmem>>)
      %dma_wait3A_81 = arith.constant 0 : i32
      %dma_wait3A_82 = tpu.memref_slice %arg2[%dma_wait3A_81] : memref<160000xi32, #tpu.memory_space<hbm>> -> memref<4000xi32, #tpu.memory_space<hbm>>
      %dma_wait3A_83 = arith.constant 0 : i32
      %dma_wait3A_84 = tpu.memref_slice %arg2[%dma_wait3A_83] : memref<160000xi32, #tpu.memory_space<hbm>> -> memref<4000xi32, #tpu.memory_space<hbm>>
      tpu.wait_dma2 semaphore(%arg13 : memref<!tpu.dma_semaphore, #tpu.memory_space<semaphore_mem>>) src(%dma_wait3A_84 : memref<4000xi32, #tpu.memory_space<hbm>>) dst(%arg8 : memref<4000xi32, #tpu.memory_space<vmem>>)
      %scan3A_85 = arith.constant 0 : i32
      %scan3A_86 = arith.constant 250 : i32
      %scan3A_87 = arith.addi %scan3A_85, %scan3A_86 : i32
      %scan3A_88 = arith.constant 1 : i32
      %scan3A_89 = scf.for %scan3A_98 = %scan3A_85 to %scan3A_87 step %scan3A_88 iter_args(%scan3A_99 = %scan3A_71) -> (i32)  : i32 {
        %mul3A_100 = arith.constant 16 : i32
        %mul3A_101 = arith.muli %scan3A_98, %mul3A_100 : i32
        %get3A = arith.index_cast %mul3A_101 : i32 to index
        %get3A_102 = tpu.vector_load %arg9[%get3A] {strides = array<i32>} : memref<4000xi32, #tpu.memory_space<vmem>>, vector<16xi32>,
        %get3A_103 = arith.index_cast %mul3A_101 : i32 to index
        %get3A_104 = tpu.vector_load %arg8[%get3A_103] {strides = array<i32>} : memref<4000xi32, #tpu.memory_space<vmem>>, vector<16xi32>,
        %sub3A = vector.broadcast %mul3A_2 : i32 to vector<16xi32>
        %sub3A_105 = arith.subi %get3A_102, %sub3A : vector<16xi32>
        %ge3A = arith.constant 0 : i32
        %ge3A_106 = vector.broadcast %ge3A : i32 to vector<16xi32>
        %ge3A_107 = arith.cmpi sge, %sub3A_105, %ge3A_106 : vector<16xi32>
        %lt3A_108 = arith.constant 320 : i32
        %lt3A_109 = vector.broadcast %lt3A_108 : i32 to vector<16xi32>
        %lt3A_110 = arith.cmpi slt, %sub3A_105, %lt3A_109 : vector<16xi32>
        %and3A = arith.andi %ge3A_107, %lt3A_110 : vector<16xi1>
        %jit3A = arith.constant 0 : i32
        %jit3A_111 = arith.constant 1 : i32
        %broadcast_in_dim3A_112 = vector.broadcast %jit3A : i32 to vector<16xi32>
        %broadcast_in_dim3A_113 = vector.broadcast %jit3A_111 : i32 to vector<16xi32>
        %select_n3A = arith.select %and3A, %broadcast_in_dim3A_112, %broadcast_in_dim3A_113 : vector<16xi1>, vector<16xi32>
        %mul3A_114 = arith.constant 512 : i32
        %mul3A_115 = vector.broadcast %mul3A_114 : i32 to vector<16xi32>
        %mul3A_116 = arith.muli %get3A_104, %mul3A_115 : vector<16xi32>
        %jit3A_117 = arith.constant 320 : i32
        %broadcast_in_dim3A_118 = vector.broadcast %jit3A_117 : i32 to vector<16xi32>
        %select_n3A_119 = arith.select %and3A, %sub3A_105, %broadcast_in_dim3A_118 : vector<16xi1>, vector<16xi32>
        %add3A_120 = arith.addi %mul3A_116, %select_n3A_119 : vector<16xi32>
        %masked_sort3A = arith.constant dense<true> : vector<16xi1>
        %masked_sort3A_121 = arith.constant -2147483648 : i32
        %masked_sort3A_122 = vector.broadcast %masked_sort3A_121 : i32 to vector<16xi32>
        %masked_sort3A_123 = arith.xori %select_n3A, %masked_sort3A_122 : vector<16xi32>
        %masked_sort3A_124, %masked_sort3A_125, %masked_sort3A_126 = tpu.sort %masked_sort3A_123, %add3A_120 masked %masked_sort3A : (vector<16xi32>, vector<16xi32>, vector<16xi1>) -> (vector<16xi1>, vector<16xi32>, vector<16xi32>)
        %masked_sort3A_127 = arith.xori %masked_sort3A_125, %masked_sort3A_122 : vector<16xi32>
        %swap3A_128 = arith.index_cast %scan3A_99 : i32 to index
        %swap3A_129 = tpu.vector_load %arg10[%swap3A_128] {strides = array<i32>} : memref<5760xi32, #tpu.memory_space<vmem>>, vector<16xi32>,
        tpu.vector_store %arg10[%swap3A_128], %masked_sort3A_126 {strides = array<i32>} : memref<5760xi32, #tpu.memory_space<vmem>>, vector<16xi32>,
        %convert_element_type3A_130 = arith.extui %and3A : vector<16xi1> to vector<16xi32>
        %reduce_sum3A = arith.constant true
        %reduce_sum3A_131 = vector.broadcast %reduce_sum3A : i1 to vector<16xi1>
        %reduce_sum3A_132 = tpu.scan <sum>, %convert_element_type3A_130 masked %reduce_sum3A_131 : vector<16xi32>, vector<16xi1> -> vector<16xi32>
        %reduce_sum3A_133 = vector.extract %reduce_sum3A_132[15] : i32 from vector<16xi32>
        %add3A_134 = arith.addi %scan3A_99, %reduce_sum3A_133 : i32
        scf.yield %add3A_134 : i32
      }
      %scan3A_90 = arith.constant 250 : i32
      %add3A_91 = arith.constant 3 : i32
      %add3A_92 = arith.addi %mul3A_59, %add3A_91 : i32
      %lt3A_93 = arith.constant 40 : i32
      %lt3A_94 = arith.cmpi slt, %add3A_92, %lt3A_93 : i32
      %convert_element_type3A_95 = arith.extui %lt3A_94 : i1 to i32
      %cond3A_96 = arith.constant 0 : i32
      %cond3A_97 = arith.cmpi ne, %convert_element_type3A_95, %cond3A_96 : i32
      scf.if %cond3A_97 {
        %add3A_98 = arith.constant 3 : i32
        %add3A_99 = arith.addi %mul3A_59, %add3A_98 : i32
        %mul3A_100 = arith.constant 4000 : i32
        %mul3A_101 = arith.muli %add3A_99, %mul3A_100 : i32
        %dma_start3A_102 = tpu.memref_slice %arg2[%mul3A_101] : memref<160000xi32, #tpu.memory_space<hbm>> -> memref<4000xi32, #tpu.memory_space<hbm>>
        %dma_start3A_103 = tpu.memref_slice %arg2[%mul3A_101] : memref<160000xi32, #tpu.memory_space<hbm>> -> memref<4000xi32, #tpu.memory_space<hbm>>
        tpu.enqueue_dma source(%dma_start3A_103 : memref<4000xi32, #tpu.memory_space<hbm>>) target(%arg8 : memref<4000xi32, #tpu.memory_space<vmem>>) target_semaphore(%arg13 : memref<!tpu.dma_semaphore, #tpu.memory_space<semaphore_mem>>)
        %mul3A_104 = arith.constant 4000 : i32
        %mul3A_105 = arith.muli %add3A_99, %mul3A_104 : i32
        %dma_start3A_106 = tpu.memref_slice %arg3[%mul3A_105] : memref<160000xi32, #tpu.memory_space<hbm>> -> memref<4000xi32, #tpu.memory_space<hbm>>
        %dma_start3A_107 = tpu.memref_slice %arg3[%mul3A_105] : memref<160000xi32, #tpu.memory_space<hbm>> -> memref<4000xi32, #tpu.memory_space<hbm>>
        tpu.enqueue_dma source(%dma_start3A_107 : memref<4000xi32, #tpu.memory_space<hbm>>) target(%arg9 : memref<4000xi32, #tpu.memory_space<vmem>>) target_semaphore(%arg13 : memref<!tpu.dma_semaphore, #tpu.memory_space<semaphore_mem>>)
      } else {
      }
      scf.yield %scan3A_89 : i32
    }
    %scan3A_23 = arith.constant 20 : i32
    %broadcast_in_dim3A = arith.constant 320 : i32
    %broadcast_in_dim3A_24 = vector.broadcast %broadcast_in_dim3A : i32 to vector<16xi32>
    %add3A_25 = arith.constant 0 : i32
    %add3A_26 = arith.addi %scan3A_22, %add3A_25 : i32
    %swap3A = arith.index_cast %add3A_26 : i32 to index
    %swap3A_27 = tpu.vector_load %arg10[%swap3A] {strides = array<i32>} : memref<5760xi32, #tpu.memory_space<vmem>>, vector<16xi32>,
    tpu.vector_store %arg10[%swap3A], %broadcast_in_dim3A_24 {strides = array<i32>} : memref<5760xi32, #tpu.memory_space<vmem>>, vector<16xi32>,
    %broadcast_in_dim3A_28 = arith.constant 320 : i32
    %broadcast_in_dim3A_29 = vector.broadcast %broadcast_in_dim3A_28 : i32 to vector<16xi32>
    %add3A_30 = arith.constant 16 : i32
    %add3A_31 = arith.addi %scan3A_22, %add3A_30 : i32
    %swap3A_32 = arith.index_cast %add3A_31 : i32 to index
    %swap3A_33 = tpu.vector_load %arg10[%swap3A_32] {strides = array<i32>} : memref<5760xi32, #tpu.memory_space<vmem>>, vector<16xi32>,
    tpu.vector_store %arg10[%swap3A_32], %broadcast_in_dim3A_29 {strides = array<i32>} : memref<5760xi32, #tpu.memory_space<vmem>>, vector<16xi32>,
    %broadcast_in_dim3A_34 = arith.constant 320 : i32
    %broadcast_in_dim3A_35 = vector.broadcast %broadcast_in_dim3A_34 : i32 to vector<16xi32>
    %add3A_36 = arith.constant 32 : i32
    %add3A_37 = arith.addi %scan3A_22, %add3A_36 : i32
    %swap3A_38 = arith.index_cast %add3A_37 : i32 to index
    %swap3A_39 = tpu.vector_load %arg10[%swap3A_38] {strides = array<i32>} : memref<5760xi32, #tpu.memory_space<vmem>>, vector<16xi32>,
    tpu.vector_store %arg10[%swap3A_38], %broadcast_in_dim3A_35 {strides = array<i32>} : memref<5760xi32, #tpu.memory_space<vmem>>, vector<16xi32>,
    %broadcast_in_dim3A_40 = arith.constant 320 : i32
    %broadcast_in_dim3A_41 = vector.broadcast %broadcast_in_dim3A_40 : i32 to vector<16xi32>
    %add3A_42 = arith.constant 48 : i32
    %add3A_43 = arith.addi %scan3A_22, %add3A_42 : i32
    %swap3A_44 = arith.index_cast %add3A_43 : i32 to index
    %swap3A_45 = tpu.vector_load %arg10[%swap3A_44] {strides = array<i32>} : memref<5760xi32, #tpu.memory_space<vmem>>, vector<16xi32>,
    tpu.vector_store %arg10[%swap3A_44], %broadcast_in_dim3A_41 {strides = array<i32>} : memref<5760xi32, #tpu.memory_space<vmem>>, vector<16xi32>,
    %mul3A_46 = arith.constant 5760 : i32
    %mul3A_47 = arith.muli %add3A, %mul3A_46 : i32
    "tpu.region"() ({
      %run_scoped3A = tpu.sem_alloc : memref<!tpu.dma_semaphore, #tpu.memory_space<semaphore_mem>>
      %dma_start3A_56 = tpu.memref_slice %arg4[%mul3A_47] : memref<184320xi32, #tpu.memory_space<hbm>> -> memref<5760xi32, #tpu.memory_space<hbm>>
      %dma_start3A_57 = tpu.memref_slice %arg4[%mul3A_47] : memref<184320xi32, #tpu.memory_space<hbm>> -> memref<5760xi32, #tpu.memory_space<hbm>>
      tpu.enqueue_dma source(%arg10 : memref<5760xi32, #tpu.memory_space<vmem>>) target(%dma_start3A_57 : memref<5760xi32, #tpu.memory_space<hbm>>) target_semaphore(%run_scoped3A : memref<!tpu.dma_semaphore, #tpu.memory_space<semaphore_mem>>)
      %dma_wait3A = tpu.memref_slice %arg4[%mul3A_47] : memref<184320xi32, #tpu.memory_space<hbm>> -> memref<5760xi32, #tpu.memory_space<hbm>>
      %dma_wait3A_58 = tpu.memref_slice %arg4[%mul3A_47] : memref<184320xi32, #tpu.memory_space<hbm>> -> memref<5760xi32, #tpu.memory_space<hbm>>
      tpu.wait_dma2 semaphore(%run_scoped3A : memref<!tpu.dma_semaphore, #tpu.memory_space<semaphore_mem>>) src(%arg10 : memref<5760xi32, #tpu.memory_space<vmem>>) dst(%dma_wait3A_58 : memref<5760xi32, #tpu.memory_space<hbm>>)
      tpu.yield
    }) : () -> ()
    %broadcast_in_dim3A_48 = arith.constant 0 : i32
    %broadcast_in_dim3A_49 = vector.broadcast %broadcast_in_dim3A_48 : i32 to vector<16xi32>
    %add3A_50 = vector.broadcast %scan3A_22 : i32 to vector<16xi32>
    %add3A_51 = arith.addi %broadcast_in_dim3A_49, %add3A_50 : vector<16xi32>
    %swap3A_52 = arith.constant 0 : index
    %swap3A_53 = tpu.vector_load %arg11[%swap3A_52] {strides = array<i32>} : memref<16xi32, #tpu.memory_space<vmem>>, vector<16xi32>,
    tpu.vector_store %arg11[%swap3A_52], %add3A_51 {strides = array<i32>} : memref<16xi32, #tpu.memory_space<vmem>>, vector<16xi32>,
    %mul3A_54 = arith.constant 16 : i32
    %mul3A_55 = arith.muli %add3A, %mul3A_54 : i32
    "tpu.region"() ({
      %run_scoped3A = tpu.sem_alloc : memref<!tpu.dma_semaphore, #tpu.memory_space<semaphore_mem>>
      %dma_start3A_56 = tpu.memref_slice %arg5[%mul3A_55] : memref<512xi32, #tpu.memory_space<hbm>> -> memref<16xi32, #tpu.memory_space<hbm>>
      %dma_start3A_57 = tpu.memref_slice %arg5[%mul3A_55] : memref<512xi32, #tpu.memory_space<hbm>> -> memref<16xi32, #tpu.memory_space<hbm>>
      tpu.enqueue_dma source(%arg11 : memref<16xi32, #tpu.memory_space<vmem>>) target(%dma_start3A_57 : memref<16xi32, #tpu.memory_space<hbm>>) target_semaphore(%run_scoped3A : memref<!tpu.dma_semaphore, #tpu.memory_space<semaphore_mem>>)
      %dma_wait3A = tpu.memref_slice %arg5[%mul3A_55] : memref<512xi32, #tpu.memory_space<hbm>> -> memref<16xi32, #tpu.memory_space<hbm>>
      %dma_wait3A_58 = tpu.memref_slice %arg5[%mul3A_55] : memref<512xi32, #tpu.memory_space<hbm>> -> memref<16xi32, #tpu.memory_space<hbm>>
      tpu.wait_dma2 semaphore(%run_scoped3A : memref<!tpu.dma_semaphore, #tpu.memory_space<semaphore_mem>>) src(%arg11 : memref<16xi32, #tpu.memory_space<vmem>>) dst(%dma_wait3A_58 : memref<16xi32, #tpu.memory_space<hbm>>)
      tpu.yield
    }) : () -> ()
    return
  }
}

module attributes {stable_mosaic.version = 14 : i64} {
  func.func @_t3_body(%arg0: i32, %arg1: i32, %arg2: memref<1024x1024xf32, #tpu.memory_space<vmem>>, %arg3: memref<1024x256xf32, #tpu.memory_space<vmem>>, %arg4: memref<1024x256xf32, #tpu.memory_space<vmem>>, %arg5: memref<256x256xf32, #tpu.memory_space<vmem>>, %arg6: memref<256x256xf32, #tpu.memory_space<vmem>>, %arg7: memref<1x256xf32, #tpu.memory_space<vmem>>, %arg8: memref<1024x256xf32, #tpu.memory_space<vmem>>, %arg9: memref<1024x256xf32, #tpu.memory_space<vmem>>, %arg10: memref<1024x1xf32, #tpu.memory_space<vmem>>) attributes {dimension_semantics = [#tpu.dimension_semantics<arbitrary>, #tpu.dimension_semantics<arbitrary>], iteration_bounds = array<i64: 10, 10>, scalar_prefetch = 0 : i64, scratch_operands = 2 : i64, tpu.core_type = #tpu.core_type<tc>, window_params = [{transform_indices = @transform_0, window_bounds = array<i64: 1024, 1024>}, {transform_indices = @transform_1, window_bounds = array<i64: 1024, 256>}, {transform_indices = @transform_2, window_bounds = array<i64: 1024, 256>}, {pipeline_mode = #tpu.pipeline_mode<synchronous>, transform_indices = @transform_3, window_bounds = array<i64: 256, 256>}, {pipeline_mode = #tpu.pipeline_mode<synchronous>, transform_indices = @transform_4, window_bounds = array<i64: 256, 256>}, {pipeline_mode = #tpu.pipeline_mode<synchronous>, transform_indices = @transform_5, window_bounds = array<i64: 1, 256>}, {transform_indices = @transform_6, window_bounds = array<i64: 1024, 256>}]} {
    %eq3A = arith.constant 0 : i32
    %eq3A_0 = arith.cmpi eq, %arg1, %eq3A : i32
    %convert_element_type3A = arith.extui %eq3A_0 : i1 to i32
    %cond3A = arith.constant 0 : i32
    %cond3A_1 = arith.cmpi ne, %convert_element_type3A, %cond3A : i32
    scf.if %cond3A_1 {
      %broadcast_in_dim3A_26 = arith.constant 0.000000e+00 : f32
      %broadcast_in_dim3A_27 = vector.broadcast %broadcast_in_dim3A_26 : f32 to vector<1024x256xf32>
      %swap3A_28 = arith.constant 0 : index
      %swap3A_29 = arith.constant 0 : index
      %swap3A_30 = vector.load %arg9[%swap3A_28, %swap3A_29] : memref<1024x256xf32, #tpu.memory_space<vmem>>, vector<1024x256xf32>
      tpu.vector_store %arg9[%swap3A_28, %swap3A_29], %broadcast_in_dim3A_27 {strides = array<i32>} : memref<1024x256xf32, #tpu.memory_space<vmem>>, vector<1024x256xf32>,
      %broadcast_in_dim3A_31 = arith.constant 0.000000e+00 : f32
      %broadcast_in_dim3A_32 = vector.broadcast %broadcast_in_dim3A_31 : f32 to vector<1024x1xf32>
      %swap3A_33 = arith.constant 0 : index
      %swap3A_34 = arith.constant 0 : index
      %swap3A_35 = vector.load %arg10[%swap3A_33, %swap3A_34] : memref<1024x1xf32, #tpu.memory_space<vmem>>, vector<1024x1xf32>
      tpu.vector_store %arg10[%swap3A_33, %swap3A_34], %broadcast_in_dim3A_32 {strides = array<i32>} : memref<1024x1xf32, #tpu.memory_space<vmem>>, vector<1024x1xf32>,
    } else {
    }
    %get3A = arith.constant 0 : index
    %get3A_2 = arith.constant 0 : index
    %get3A_3 = vector.load %arg2[%get3A, %get3A_2] : memref<1024x1024xf32, #tpu.memory_space<vmem>>, vector<1024x1024xf32>
    %get3A_4 = arith.constant 0 : index
    %get3A_5 = arith.constant 0 : index
    %get3A_6 = vector.load %arg9[%get3A_4, %get3A_5] : memref<1024x256xf32, #tpu.memory_space<vmem>>, vector<1024x256xf32>
    %get3A_7 = arith.constant 0 : index
    %get3A_8 = arith.constant 0 : index
    %get3A_9 = vector.load %arg3[%get3A_7, %get3A_8] : memref<1024x256xf32, #tpu.memory_space<vmem>>, vector<1024x256xf32>
    %dot_general3A = arith.constant dense<0.000000e+00> : vector<1024x256xf32>
    %dot_general3A_10 = tpu.matmul %get3A_3, %get3A_9, %dot_general3A {dimension_numbers = #tpu.dot_dimension_numbers<[1], [0], [0], [1], [0, 0, 1, 1], [], []>, transpose_lhs_hint = false} : vector<1024x1024xf32>, vector<1024x256xf32>, vector<1024x256xf32> -> vector<1024x256xf32>
    %add3A = arith.addf %get3A_6, %dot_general3A_10 : vector<1024x256xf32>
    %swap3A = arith.constant 0 : index
    %swap3A_11 = arith.constant 0 : index
    %swap3A_12 = vector.load %arg9[%swap3A, %swap3A_11] : memref<1024x256xf32, #tpu.memory_space<vmem>>, vector<1024x256xf32>
    tpu.vector_store %arg9[%swap3A, %swap3A_11], %add3A {strides = array<i32>} : memref<1024x256xf32, #tpu.memory_space<vmem>>, vector<1024x256xf32>,
    %get3A_13 = arith.constant 0 : index
    %get3A_14 = arith.constant 0 : index
    %get3A_15 = vector.load %arg10[%get3A_13, %get3A_14] : memref<1024x1xf32, #tpu.memory_space<vmem>>, vector<1024x1xf32>
    %reduce_sum3A = arith.constant dense<0.000000e+00> : vector<1024xf32>
    %reduce_sum3A_16 = vector.multi_reduction <add>, %get3A_3, %reduce_sum3A [1] : vector<1024x1024xf32> to vector<1024xf32>
    %broadcast_in_dim3A = vector.shape_cast %reduce_sum3A_16 : vector<1024xf32> to vector<1024x1xf32>
    %add3A_17 = arith.addf %get3A_15, %broadcast_in_dim3A : vector<1024x1xf32>
    %swap3A_18 = arith.constant 0 : index
    %swap3A_19 = arith.constant 0 : index
    %swap3A_20 = vector.load %arg10[%swap3A_18, %swap3A_19] : memref<1024x1xf32, #tpu.memory_space<vmem>>, vector<1024x1xf32>
    tpu.vector_store %arg10[%swap3A_18, %swap3A_19], %add3A_17 {strides = array<i32>} : memref<1024x1xf32, #tpu.memory_space<vmem>>, vector<1024x1xf32>,
    %eq3A_21 = arith.constant 9 : i32
    %eq3A_22 = arith.cmpi eq, %arg1, %eq3A_21 : i32
    %convert_element_type3A_23 = arith.extui %eq3A_22 : i1 to i32
    %cond3A_24 = arith.constant 0 : i32
    %cond3A_25 = arith.cmpi ne, %convert_element_type3A_23, %cond3A_24 : i32
    scf.if %cond3A_25 {
      %get3A_26 = arith.constant 0 : index
      %get3A_27 = arith.constant 0 : index
      %get3A_28 = vector.load %arg9[%get3A_26, %get3A_27] : memref<1024x256xf32, #tpu.memory_space<vmem>>, vector<1024x256xf32>
      %get3A_29 = arith.constant 0 : index
      %get3A_30 = arith.constant 0 : index
      %get3A_31 = vector.load %arg10[%get3A_29, %get3A_30] : memref<1024x1xf32, #tpu.memory_space<vmem>>, vector<1024x1xf32>
      %max3A = arith.constant 1.000000e+00 : f32
      %max3A_32 = vector.broadcast %max3A : f32 to vector<1024x1xf32>
      %max3A_33 = arith.maximumf %get3A_31, %max3A_32 : vector<1024x1xf32>
      %div3A = vector.broadcast %max3A_33 : vector<1024x1xf32> to vector<1024x256xf32>
      %div3A_34 = arith.divf %get3A_28, %div3A : vector<1024x256xf32>
      %get3A_35 = arith.constant 0 : index
      %get3A_36 = arith.constant 0 : index
      %get3A_37 = vector.load %arg5[%get3A_35, %get3A_36] : memref<256x256xf32, #tpu.memory_space<vmem>>, vector<256x256xf32>
      %dot_general3A_38 = arith.constant dense<0.000000e+00> : vector<1024x256xf32>
      %dot_general3A_39 = tpu.matmul %div3A_34, %get3A_37, %dot_general3A_38 {dimension_numbers = #tpu.dot_dimension_numbers<[1], [0], [0], [1], [0, 0, 1, 1], [], []>, transpose_lhs_hint = false} : vector<1024x256xf32>, vector<256x256xf32>, vector<1024x256xf32> -> vector<1024x256xf32>
      %get3A_40 = arith.constant 0 : index
      %get3A_41 = arith.constant 0 : index
      %get3A_42 = vector.load %arg4[%get3A_40, %get3A_41] : memref<1024x256xf32, #tpu.memory_space<vmem>>, vector<1024x256xf32>
      %get3A_43 = arith.constant 0 : index
      %get3A_44 = arith.constant 0 : index
      %get3A_45 = vector.load %arg6[%get3A_43, %get3A_44] : memref<256x256xf32, #tpu.memory_space<vmem>>, vector<256x256xf32>
      %dot_general3A_46 = arith.constant dense<0.000000e+00> : vector<1024x256xf32>
      %dot_general3A_47 = tpu.matmul %get3A_42, %get3A_45, %dot_general3A_46 {dimension_numbers = #tpu.dot_dimension_numbers<[1], [0], [0], [1], [0, 0, 1, 1], [], []>, transpose_lhs_hint = false} : vector<1024x256xf32>, vector<256x256xf32>, vector<1024x256xf32> -> vector<1024x256xf32>
      %add3A_48 = arith.addf %dot_general3A_39, %dot_general3A_47 : vector<1024x256xf32>
      %get3A_49 = arith.constant 0 : index
      %get3A_50 = arith.constant 0 : index
      %get3A_51 = vector.load %arg7[%get3A_49, %get3A_50] : memref<1x256xf32, #tpu.memory_space<vmem>>, vector<1x256xf32>
      %add3A_52 = vector.broadcast %get3A_51 : vector<1x256xf32> to vector<1024x256xf32>
      %add3A_53 = arith.addf %add3A_48, %add3A_52 : vector<1024x256xf32>
      %max3A_54 = arith.constant 0.000000e+00 : f32
      %max3A_55 = vector.broadcast %max3A_54 : f32 to vector<1024x256xf32>
      %max3A_56 = arith.maximumf %add3A_53, %max3A_55 : vector<1024x256xf32>
      %swap3A_57 = arith.constant 0 : index
      %swap3A_58 = arith.constant 0 : index
      %swap3A_59 = vector.load %arg8[%swap3A_57, %swap3A_58] : memref<1024x256xf32, #tpu.memory_space<vmem>>, vector<1024x256xf32>
      tpu.vector_store %arg8[%swap3A_57, %swap3A_58], %max3A_56 {strides = array<i32>} : memref<1024x256xf32, #tpu.memory_space<vmem>>, vector<1024x256xf32>,
    } else {
    }
    return
  }
  func.func @transform_0(%arg0: i32, %arg1: i32) -> (i32, i32) {
    %c0_i32 = arith.constant 0 : i32
    return %arg0, %arg1 : i32, i32
  }
  func.func @transform_1(%arg0: i32, %arg1: i32) -> (i32, i32) {
    %c0_i32 = arith.constant 0 : i32
    %c0_i32_0 = arith.constant 0 : i32
    return %arg1, %c0_i32 : i32, i32
  }
  func.func @transform_2(%arg0: i32, %arg1: i32) -> (i32, i32) {
    %c0_i32 = arith.constant 0 : i32
    %c0_i32_0 = arith.constant 0 : i32
    return %arg0, %c0_i32 : i32, i32
  }
  func.func @transform_3(%arg0: i32, %arg1: i32) -> (i32, i32) {
    %c0_i32 = arith.constant 0 : i32
    %c0_i32_0 = arith.constant 0 : i32
    %c0_i32_1 = arith.constant 0 : i32
    return %c0_i32, %c0_i32_0 : i32, i32
  }
  func.func @transform_4(%arg0: i32, %arg1: i32) -> (i32, i32) {
    %c0_i32 = arith.constant 0 : i32
    %c0_i32_0 = arith.constant 0 : i32
    %c0_i32_1 = arith.constant 0 : i32
    return %c0_i32, %c0_i32_0 : i32, i32
  }
  func.func @transform_5(%arg0: i32, %arg1: i32) -> (i32, i32) {
    %c0_i32 = arith.constant 0 : i32
    %c0_i32_0 = arith.constant 0 : i32
    %c0_i32_1 = arith.constant 0 : i32
    return %c0_i32, %c0_i32_0 : i32, i32
  }
  func.func @transform_6(%arg0: i32, %arg1: i32) -> (i32, i32) {
    %c0_i32 = arith.constant 0 : i32
    %c0_i32_0 = arith.constant 0 : i32
    return %arg0, %c0_i32 : i32, i32
  }
}

module attributes {stable_mosaic.version = 14 : i64} {
  func.func @_t4_body(%arg0: i32, %arg1: memref<512x2x256xf32, #tpu.memory_space<vmem>>, %arg2: memref<512x256xf32, #tpu.memory_space<vmem>>) attributes {dimension_semantics = [#tpu.dimension_semantics<arbitrary>], iteration_bounds = array<i64: 10>, scalar_prefetch = 0 : i64, scratch_operands = 0 : i64, tpu.core_type = #tpu.core_type<tc>, window_params = [{transform_indices = @transform_0, window_bounds = array<i64: 512, 2, 256>}, {transform_indices = @transform_1, window_bounds = array<i64: 512, 256>}]} {
    %get3A = arith.constant 0 : index
    %get3A_0 = arith.constant 0 : index
    %get3A_1 = arith.constant 0 : index
    %get3A_2 = vector.load %arg1[%get3A, %get3A_0, %get3A_1] : memref<512x2x256xf32, #tpu.memory_space<vmem>>, vector<512x1x256xf32>
    %get3A_3 = vector.shape_cast %get3A_2 : vector<512x1x256xf32> to vector<512x256xf32>
    %get3A_4 = arith.constant 0 : index
    %get3A_5 = arith.constant 1 : index
    %get3A_6 = arith.constant 0 : index
    %get3A_7 = vector.load %arg1[%get3A_4, %get3A_5, %get3A_6] : memref<512x2x256xf32, #tpu.memory_space<vmem>>, vector<512x1x256xf32>
    %get3A_8 = vector.shape_cast %get3A_7 : vector<512x1x256xf32> to vector<512x256xf32>
    %add3A = arith.addf %get3A_3, %get3A_8 : vector<512x256xf32>
    %mul3A = arith.constant 5.000000e-01 : f32
    %mul3A_9 = vector.broadcast %mul3A : f32 to vector<512x256xf32>
    %mul3A_10 = arith.mulf %add3A, %mul3A_9 : vector<512x256xf32>
    %swap3A = arith.constant 0 : index
    %swap3A_11 = arith.constant 0 : index
    %swap3A_12 = vector.load %arg2[%swap3A, %swap3A_11] : memref<512x256xf32, #tpu.memory_space<vmem>>, vector<512x256xf32>
    tpu.vector_store %arg2[%swap3A, %swap3A_11], %mul3A_10 {strides = array<i32>} : memref<512x256xf32, #tpu.memory_space<vmem>>, vector<512x256xf32>,
    return
  }
  func.func @transform_0(%arg0: i32) -> (i32, i32, i32) {
    %c0_i32 = arith.constant 0 : i32
    %c0_i32_0 = arith.constant 0 : i32
    %c0_i32_1 = arith.constant 0 : i32
    return %arg0, %c0_i32, %c0_i32_0 : i32, i32, i32
  }
  func.func @transform_1(%arg0: i32) -> (i32, i32) {
    %c0_i32 = arith.constant 0 : i32
    %c0_i32_0 = arith.constant 0 : i32
    return %arg0, %c0_i32 : i32, i32
  }
}

module attributes {stable_mosaic.version = 14 : i64} {
  func.func @_t3_body(%arg0: i32, %arg1: i32, %arg2: memref<1024x1024xf32, #tpu.memory_space<vmem>>, %arg3: memref<1024x256xf32, #tpu.memory_space<vmem>>, %arg4: memref<1024x256xf32, #tpu.memory_space<vmem>>, %arg5: memref<256x256xf32, #tpu.memory_space<vmem>>, %arg6: memref<256x256xf32, #tpu.memory_space<vmem>>, %arg7: memref<1x256xf32, #tpu.memory_space<vmem>>, %arg8: memref<1024x256xf32, #tpu.memory_space<vmem>>, %arg9: memref<1024x256xf32, #tpu.memory_space<vmem>>, %arg10: memref<1024x1xf32, #tpu.memory_space<vmem>>) attributes {dimension_semantics = [#tpu.dimension_semantics<arbitrary>, #tpu.dimension_semantics<arbitrary>], iteration_bounds = array<i64: 5, 5>, scalar_prefetch = 0 : i64, scratch_operands = 2 : i64, tpu.core_type = #tpu.core_type<tc>, window_params = [{transform_indices = @transform_0, window_bounds = array<i64: 1024, 1024>}, {transform_indices = @transform_1, window_bounds = array<i64: 1024, 256>}, {transform_indices = @transform_2, window_bounds = array<i64: 1024, 256>}, {pipeline_mode = #tpu.pipeline_mode<synchronous>, transform_indices = @transform_3, window_bounds = array<i64: 256, 256>}, {pipeline_mode = #tpu.pipeline_mode<synchronous>, transform_indices = @transform_4, window_bounds = array<i64: 256, 256>}, {pipeline_mode = #tpu.pipeline_mode<synchronous>, transform_indices = @transform_5, window_bounds = array<i64: 1, 256>}, {transform_indices = @transform_6, window_bounds = array<i64: 1024, 256>}]} {
    %eq3A = arith.constant 0 : i32
    %eq3A_0 = arith.cmpi eq, %arg1, %eq3A : i32
    %convert_element_type3A = arith.extui %eq3A_0 : i1 to i32
    %cond3A = arith.constant 0 : i32
    %cond3A_1 = arith.cmpi ne, %convert_element_type3A, %cond3A : i32
    scf.if %cond3A_1 {
      %broadcast_in_dim3A_28 = arith.constant 0.000000e+00 : f32
      %broadcast_in_dim3A_29 = vector.broadcast %broadcast_in_dim3A_28 : f32 to vector<1024x256xf32>
      %swap3A_30 = arith.constant 0 : index
      %swap3A_31 = arith.constant 0 : index
      %swap3A_32 = vector.load %arg9[%swap3A_30, %swap3A_31] : memref<1024x256xf32, #tpu.memory_space<vmem>>, vector<1024x256xf32>
      tpu.vector_store %arg9[%swap3A_30, %swap3A_31], %broadcast_in_dim3A_29 {strides = array<i32>} : memref<1024x256xf32, #tpu.memory_space<vmem>>, vector<1024x256xf32>,
      %broadcast_in_dim3A_33 = arith.constant 0.000000e+00 : f32
      %broadcast_in_dim3A_34 = vector.broadcast %broadcast_in_dim3A_33 : f32 to vector<1024x1xf32>
      %swap3A_35 = arith.constant 0 : index
      %swap3A_36 = arith.constant 0 : index
      %swap3A_37 = vector.load %arg10[%swap3A_35, %swap3A_36] : memref<1024x1xf32, #tpu.memory_space<vmem>>, vector<1024x1xf32>
      tpu.vector_store %arg10[%swap3A_35, %swap3A_36], %broadcast_in_dim3A_34 {strides = array<i32>} : memref<1024x1xf32, #tpu.memory_space<vmem>>, vector<1024x1xf32>,
    } else {
    }
    %get3A = arith.constant 0 : index
    %get3A_2 = arith.constant 0 : index
    %get3A_3 = vector.load %arg2[%get3A, %get3A_2] : memref<1024x1024xf32, #tpu.memory_space<vmem>>, vector<1024x1024xf32>
    %min3A = arith.constant 1.000000e+00 : f32
    %min3A_4 = vector.broadcast %min3A : f32 to vector<1024x1024xf32>
    %min3A_5 = arith.minimumf %get3A_3, %min3A_4 : vector<1024x1024xf32>
    %get3A_6 = arith.constant 0 : index
    %get3A_7 = arith.constant 0 : index
    %get3A_8 = vector.load %arg9[%get3A_6, %get3A_7] : memref<1024x256xf32, #tpu.memory_space<vmem>>, vector<1024x256xf32>
    %get3A_9 = arith.constant 0 : index
    %get3A_10 = arith.constant 0 : index
    %get3A_11 = vector.load %arg3[%get3A_9, %get3A_10] : memref<1024x256xf32, #tpu.memory_space<vmem>>, vector<1024x256xf32>
    %dot_general3A = arith.constant dense<0.000000e+00> : vector<1024x256xf32>
    %dot_general3A_12 = tpu.matmul %min3A_5, %get3A_11, %dot_general3A {dimension_numbers = #tpu.dot_dimension_numbers<[1], [0], [0], [1], [0, 0, 1, 1], [], []>, transpose_lhs_hint = false} : vector<1024x1024xf32>, vector<1024x256xf32>, vector<1024x256xf32> -> vector<1024x256xf32>
    %add3A = arith.addf %get3A_8, %dot_general3A_12 : vector<1024x256xf32>
    %swap3A = arith.constant 0 : index
    %swap3A_13 = arith.constant 0 : index
    %swap3A_14 = vector.load %arg9[%swap3A, %swap3A_13] : memref<1024x256xf32, #tpu.memory_space<vmem>>, vector<1024x256xf32>
    tpu.vector_store %arg9[%swap3A, %swap3A_13], %add3A {strides = array<i32>} : memref<1024x256xf32, #tpu.memory_space<vmem>>, vector<1024x256xf32>,
    %get3A_15 = arith.constant 0 : index
    %get3A_16 = arith.constant 0 : index
    %get3A_17 = vector.load %arg10[%get3A_15, %get3A_16] : memref<1024x1xf32, #tpu.memory_space<vmem>>, vector<1024x1xf32>
    %reduce_sum3A = arith.constant dense<0.000000e+00> : vector<1024xf32>
    %reduce_sum3A_18 = vector.multi_reduction <add>, %min3A_5, %reduce_sum3A [1] : vector<1024x1024xf32> to vector<1024xf32>
    %broadcast_in_dim3A = vector.shape_cast %reduce_sum3A_18 : vector<1024xf32> to vector<1024x1xf32>
    %add3A_19 = arith.addf %get3A_17, %broadcast_in_dim3A : vector<1024x1xf32>
    %swap3A_20 = arith.constant 0 : index
    %swap3A_21 = arith.constant 0 : index
    %swap3A_22 = vector.load %arg10[%swap3A_20, %swap3A_21] : memref<1024x1xf32, #tpu.memory_space<vmem>>, vector<1024x1xf32>
    tpu.vector_store %arg10[%swap3A_20, %swap3A_21], %add3A_19 {strides = array<i32>} : memref<1024x1xf32, #tpu.memory_space<vmem>>, vector<1024x1xf32>,
    %eq3A_23 = arith.constant 4 : i32
    %eq3A_24 = arith.cmpi eq, %arg1, %eq3A_23 : i32
    %convert_element_type3A_25 = arith.extui %eq3A_24 : i1 to i32
    %cond3A_26 = arith.constant 0 : i32
    %cond3A_27 = arith.cmpi ne, %convert_element_type3A_25, %cond3A_26 : i32
    scf.if %cond3A_27 {
      %get3A_28 = arith.constant 0 : index
      %get3A_29 = arith.constant 0 : index
      %get3A_30 = vector.load %arg9[%get3A_28, %get3A_29] : memref<1024x256xf32, #tpu.memory_space<vmem>>, vector<1024x256xf32>
      %get3A_31 = arith.constant 0 : index
      %get3A_32 = arith.constant 0 : index
      %get3A_33 = vector.load %arg10[%get3A_31, %get3A_32] : memref<1024x1xf32, #tpu.memory_space<vmem>>, vector<1024x1xf32>
      %max3A = arith.constant 1.000000e+00 : f32
      %max3A_34 = vector.broadcast %max3A : f32 to vector<1024x1xf32>
      %max3A_35 = arith.maximumf %get3A_33, %max3A_34 : vector<1024x1xf32>
      %div3A = vector.broadcast %max3A_35 : vector<1024x1xf32> to vector<1024x256xf32>
      %div3A_36 = arith.divf %get3A_30, %div3A : vector<1024x256xf32>
      %get3A_37 = arith.constant 0 : index
      %get3A_38 = arith.constant 0 : index
      %get3A_39 = vector.load %arg5[%get3A_37, %get3A_38] : memref<256x256xf32, #tpu.memory_space<vmem>>, vector<256x256xf32>
      %dot_general3A_40 = arith.constant dense<0.000000e+00> : vector<1024x256xf32>
      %dot_general3A_41 = tpu.matmul %div3A_36, %get3A_39, %dot_general3A_40 {dimension_numbers = #tpu.dot_dimension_numbers<[1], [0], [0], [1], [0, 0, 1, 1], [], []>, transpose_lhs_hint = false} : vector<1024x256xf32>, vector<256x256xf32>, vector<1024x256xf32> -> vector<1024x256xf32>
      %get3A_42 = arith.constant 0 : index
      %get3A_43 = arith.constant 0 : index
      %get3A_44 = vector.load %arg4[%get3A_42, %get3A_43] : memref<1024x256xf32, #tpu.memory_space<vmem>>, vector<1024x256xf32>
      %get3A_45 = arith.constant 0 : index
      %get3A_46 = arith.constant 0 : index
      %get3A_47 = vector.load %arg6[%get3A_45, %get3A_46] : memref<256x256xf32, #tpu.memory_space<vmem>>, vector<256x256xf32>
      %dot_general3A_48 = arith.constant dense<0.000000e+00> : vector<1024x256xf32>
      %dot_general3A_49 = tpu.matmul %get3A_44, %get3A_47, %dot_general3A_48 {dimension_numbers = #tpu.dot_dimension_numbers<[1], [0], [0], [1], [0, 0, 1, 1], [], []>, transpose_lhs_hint = false} : vector<1024x256xf32>, vector<256x256xf32>, vector<1024x256xf32> -> vector<1024x256xf32>
      %add3A_50 = arith.addf %dot_general3A_41, %dot_general3A_49 : vector<1024x256xf32>
      %get3A_51 = arith.constant 0 : index
      %get3A_52 = arith.constant 0 : index
      %get3A_53 = vector.load %arg7[%get3A_51, %get3A_52] : memref<1x256xf32, #tpu.memory_space<vmem>>, vector<1x256xf32>
      %add3A_54 = vector.broadcast %get3A_53 : vector<1x256xf32> to vector<1024x256xf32>
      %add3A_55 = arith.addf %add3A_50, %add3A_54 : vector<1024x256xf32>
      %max3A_56 = arith.constant 0.000000e+00 : f32
      %max3A_57 = vector.broadcast %max3A_56 : f32 to vector<1024x256xf32>
      %max3A_58 = arith.maximumf %add3A_55, %max3A_57 : vector<1024x256xf32>
      %swap3A_59 = arith.constant 0 : index
      %swap3A_60 = arith.constant 0 : index
      %swap3A_61 = vector.load %arg8[%swap3A_59, %swap3A_60] : memref<1024x256xf32, #tpu.memory_space<vmem>>, vector<1024x256xf32>
      tpu.vector_store %arg8[%swap3A_59, %swap3A_60], %max3A_58 {strides = array<i32>} : memref<1024x256xf32, #tpu.memory_space<vmem>>, vector<1024x256xf32>,
    } else {
    }
    return
  }
  func.func @transform_0(%arg0: i32, %arg1: i32) -> (i32, i32) {
    %c0_i32 = arith.constant 0 : i32
    return %arg0, %arg1 : i32, i32
  }
  func.func @transform_1(%arg0: i32, %arg1: i32) -> (i32, i32) {
    %c0_i32 = arith.constant 0 : i32
    %c0_i32_0 = arith.constant 0 : i32
    return %arg1, %c0_i32 : i32, i32
  }
  func.func @transform_2(%arg0: i32, %arg1: i32) -> (i32, i32) {
    %c0_i32 = arith.constant 0 : i32
    %c0_i32_0 = arith.constant 0 : i32
    return %arg0, %c0_i32 : i32, i32
  }
  func.func @transform_3(%arg0: i32, %arg1: i32) -> (i32, i32) {
    %c0_i32 = arith.constant 0 : i32
    %c0_i32_0 = arith.constant 0 : i32
    %c0_i32_1 = arith.constant 0 : i32
    return %c0_i32, %c0_i32_0 : i32, i32
  }
  func.func @transform_4(%arg0: i32, %arg1: i32) -> (i32, i32) {
    %c0_i32 = arith.constant 0 : i32
    %c0_i32_0 = arith.constant 0 : i32
    %c0_i32_1 = arith.constant 0 : i32
    return %c0_i32, %c0_i32_0 : i32, i32
  }
  func.func @transform_5(%arg0: i32, %arg1: i32) -> (i32, i32) {
    %c0_i32 = arith.constant 0 : i32
    %c0_i32_0 = arith.constant 0 : i32
    %c0_i32_1 = arith.constant 0 : i32
    return %c0_i32, %c0_i32_0 : i32, i32
  }
  func.func @transform_6(%arg0: i32, %arg1: i32) -> (i32, i32) {
    %c0_i32 = arith.constant 0 : i32
    %c0_i32_0 = arith.constant 0 : i32
    return %arg0, %c0_i32 : i32, i32
  }
}

module attributes {stable_mosaic.version = 14 : i64} {
  func.func @_t4_body(%arg0: i32, %arg1: memref<512x2x256xf32, #tpu.memory_space<vmem>>, %arg2: memref<512x256xf32, #tpu.memory_space<vmem>>) attributes {dimension_semantics = [#tpu.dimension_semantics<arbitrary>], iteration_bounds = array<i64: 5>, scalar_prefetch = 0 : i64, scratch_operands = 0 : i64, tpu.core_type = #tpu.core_type<tc>, window_params = [{transform_indices = @transform_0, window_bounds = array<i64: 512, 2, 256>}, {transform_indices = @transform_1, window_bounds = array<i64: 512, 256>}]} {
    %get3A = arith.constant 0 : index
    %get3A_0 = arith.constant 0 : index
    %get3A_1 = arith.constant 0 : index
    %get3A_2 = vector.load %arg1[%get3A, %get3A_0, %get3A_1] : memref<512x2x256xf32, #tpu.memory_space<vmem>>, vector<512x1x256xf32>
    %get3A_3 = vector.shape_cast %get3A_2 : vector<512x1x256xf32> to vector<512x256xf32>
    %get3A_4 = arith.constant 0 : index
    %get3A_5 = arith.constant 1 : index
    %get3A_6 = arith.constant 0 : index
    %get3A_7 = vector.load %arg1[%get3A_4, %get3A_5, %get3A_6] : memref<512x2x256xf32, #tpu.memory_space<vmem>>, vector<512x1x256xf32>
    %get3A_8 = vector.shape_cast %get3A_7 : vector<512x1x256xf32> to vector<512x256xf32>
    %add3A = arith.addf %get3A_3, %get3A_8 : vector<512x256xf32>
    %mul3A = arith.constant 5.000000e-01 : f32
    %mul3A_9 = vector.broadcast %mul3A : f32 to vector<512x256xf32>
    %mul3A_10 = arith.mulf %add3A, %mul3A_9 : vector<512x256xf32>
    %swap3A = arith.constant 0 : index
    %swap3A_11 = arith.constant 0 : index
    %swap3A_12 = vector.load %arg2[%swap3A, %swap3A_11] : memref<512x256xf32, #tpu.memory_space<vmem>>, vector<512x256xf32>
    tpu.vector_store %arg2[%swap3A, %swap3A_11], %mul3A_10 {strides = array<i32>} : memref<512x256xf32, #tpu.memory_space<vmem>>, vector<512x256xf32>,
    return
  }
  func.func @transform_0(%arg0: i32) -> (i32, i32, i32) {
    %c0_i32 = arith.constant 0 : i32
    %c0_i32_0 = arith.constant 0 : i32
    %c0_i32_1 = arith.constant 0 : i32
    return %arg0, %c0_i32, %c0_i32_0 : i32, i32, i32
  }
  func.func @transform_1(%arg0: i32) -> (i32, i32) {
    %c0_i32 = arith.constant 0 : i32
    %c0_i32_0 = arith.constant 0 : i32
    return %arg0, %c0_i32 : i32, i32
  }
}

module attributes {stable_mosaic.version = 14 : i64} {
  func.func @_t3_body(%arg0: i32, %arg1: i32, %arg2: memref<512x512xf32, #tpu.memory_space<vmem>>, %arg3: memref<512x256xf32, #tpu.memory_space<vmem>>, %arg4: memref<512x256xf32, #tpu.memory_space<vmem>>, %arg5: memref<256x256xf32, #tpu.memory_space<vmem>>, %arg6: memref<256x256xf32, #tpu.memory_space<vmem>>, %arg7: memref<1x256xf32, #tpu.memory_space<vmem>>, %arg8: memref<512x256xf32, #tpu.memory_space<vmem>>, %arg9: memref<512x256xf32, #tpu.memory_space<vmem>>, %arg10: memref<512x1xf32, #tpu.memory_space<vmem>>) attributes {dimension_semantics = [#tpu.dimension_semantics<arbitrary>, #tpu.dimension_semantics<arbitrary>], iteration_bounds = array<i64: 5, 5>, scalar_prefetch = 0 : i64, scratch_operands = 2 : i64, tpu.core_type = #tpu.core_type<tc>, window_params = [{transform_indices = @transform_0, window_bounds = array<i64: 512, 512>}, {transform_indices = @transform_1, window_bounds = array<i64: 512, 256>}, {transform_indices = @transform_2, window_bounds = array<i64: 512, 256>}, {pipeline_mode = #tpu.pipeline_mode<synchronous>, transform_indices = @transform_3, window_bounds = array<i64: 256, 256>}, {pipeline_mode = #tpu.pipeline_mode<synchronous>, transform_indices = @transform_4, window_bounds = array<i64: 256, 256>}, {pipeline_mode = #tpu.pipeline_mode<synchronous>, transform_indices = @transform_5, window_bounds = array<i64: 1, 256>}, {transform_indices = @transform_6, window_bounds = array<i64: 512, 256>}]} {
    %eq3A = arith.constant 0 : i32
    %eq3A_0 = arith.cmpi eq, %arg1, %eq3A : i32
    %convert_element_type3A = arith.extui %eq3A_0 : i1 to i32
    %cond3A = arith.constant 0 : i32
    %cond3A_1 = arith.cmpi ne, %convert_element_type3A, %cond3A : i32
    scf.if %cond3A_1 {
      %broadcast_in_dim3A_28 = arith.constant 0.000000e+00 : f32
      %broadcast_in_dim3A_29 = vector.broadcast %broadcast_in_dim3A_28 : f32 to vector<512x256xf32>
      %swap3A_30 = arith.constant 0 : index
      %swap3A_31 = arith.constant 0 : index
      %swap3A_32 = vector.load %arg9[%swap3A_30, %swap3A_31] : memref<512x256xf32, #tpu.memory_space<vmem>>, vector<512x256xf32>
      tpu.vector_store %arg9[%swap3A_30, %swap3A_31], %broadcast_in_dim3A_29 {strides = array<i32>} : memref<512x256xf32, #tpu.memory_space<vmem>>, vector<512x256xf32>,
      %broadcast_in_dim3A_33 = arith.constant 0.000000e+00 : f32
      %broadcast_in_dim3A_34 = vector.broadcast %broadcast_in_dim3A_33 : f32 to vector<512x1xf32>
      %swap3A_35 = arith.constant 0 : index
      %swap3A_36 = arith.constant 0 : index
      %swap3A_37 = vector.load %arg10[%swap3A_35, %swap3A_36] : memref<512x1xf32, #tpu.memory_space<vmem>>, vector<512x1xf32>
      tpu.vector_store %arg10[%swap3A_35, %swap3A_36], %broadcast_in_dim3A_34 {strides = array<i32>} : memref<512x1xf32, #tpu.memory_space<vmem>>, vector<512x1xf32>,
    } else {
    }
    %get3A = arith.constant 0 : index
    %get3A_2 = arith.constant 0 : index
    %get3A_3 = vector.load %arg2[%get3A, %get3A_2] : memref<512x512xf32, #tpu.memory_space<vmem>>, vector<512x512xf32>
    %min3A = arith.constant 1.000000e+00 : f32
    %min3A_4 = vector.broadcast %min3A : f32 to vector<512x512xf32>
    %min3A_5 = arith.minimumf %get3A_3, %min3A_4 : vector<512x512xf32>
    %get3A_6 = arith.constant 0 : index
    %get3A_7 = arith.constant 0 : index
    %get3A_8 = vector.load %arg9[%get3A_6, %get3A_7] : memref<512x256xf32, #tpu.memory_space<vmem>>, vector<512x256xf32>
    %get3A_9 = arith.constant 0 : index
    %get3A_10 = arith.constant 0 : index
    %get3A_11 = vector.load %arg3[%get3A_9, %get3A_10] : memref<512x256xf32, #tpu.memory_space<vmem>>, vector<512x256xf32>
    %dot_general3A = arith.constant dense<0.000000e+00> : vector<512x256xf32>
    %dot_general3A_12 = tpu.matmul %min3A_5, %get3A_11, %dot_general3A {dimension_numbers = #tpu.dot_dimension_numbers<[1], [0], [0], [1], [0, 0, 1, 1], [], []>, transpose_lhs_hint = false} : vector<512x512xf32>, vector<512x256xf32>, vector<512x256xf32> -> vector<512x256xf32>
    %add3A = arith.addf %get3A_8, %dot_general3A_12 : vector<512x256xf32>
    %swap3A = arith.constant 0 : index
    %swap3A_13 = arith.constant 0 : index
    %swap3A_14 = vector.load %arg9[%swap3A, %swap3A_13] : memref<512x256xf32, #tpu.memory_space<vmem>>, vector<512x256xf32>
    tpu.vector_store %arg9[%swap3A, %swap3A_13], %add3A {strides = array<i32>} : memref<512x256xf32, #tpu.memory_space<vmem>>, vector<512x256xf32>,
    %get3A_15 = arith.constant 0 : index
    %get3A_16 = arith.constant 0 : index
    %get3A_17 = vector.load %arg10[%get3A_15, %get3A_16] : memref<512x1xf32, #tpu.memory_space<vmem>>, vector<512x1xf32>
    %reduce_sum3A = arith.constant dense<0.000000e+00> : vector<512xf32>
    %reduce_sum3A_18 = vector.multi_reduction <add>, %min3A_5, %reduce_sum3A [1] : vector<512x512xf32> to vector<512xf32>
    %broadcast_in_dim3A = vector.shape_cast %reduce_sum3A_18 : vector<512xf32> to vector<512x1xf32>
    %add3A_19 = arith.addf %get3A_17, %broadcast_in_dim3A : vector<512x1xf32>
    %swap3A_20 = arith.constant 0 : index
    %swap3A_21 = arith.constant 0 : index
    %swap3A_22 = vector.load %arg10[%swap3A_20, %swap3A_21] : memref<512x1xf32, #tpu.memory_space<vmem>>, vector<512x1xf32>
    tpu.vector_store %arg10[%swap3A_20, %swap3A_21], %add3A_19 {strides = array<i32>} : memref<512x1xf32, #tpu.memory_space<vmem>>, vector<512x1xf32>,
    %eq3A_23 = arith.constant 4 : i32
    %eq3A_24 = arith.cmpi eq, %arg1, %eq3A_23 : i32
    %convert_element_type3A_25 = arith.extui %eq3A_24 : i1 to i32
    %cond3A_26 = arith.constant 0 : i32
    %cond3A_27 = arith.cmpi ne, %convert_element_type3A_25, %cond3A_26 : i32
    scf.if %cond3A_27 {
      %get3A_28 = arith.constant 0 : index
      %get3A_29 = arith.constant 0 : index
      %get3A_30 = vector.load %arg9[%get3A_28, %get3A_29] : memref<512x256xf32, #tpu.memory_space<vmem>>, vector<512x256xf32>
      %get3A_31 = arith.constant 0 : index
      %get3A_32 = arith.constant 0 : index
      %get3A_33 = vector.load %arg10[%get3A_31, %get3A_32] : memref<512x1xf32, #tpu.memory_space<vmem>>, vector<512x1xf32>
      %max3A = arith.constant 1.000000e+00 : f32
      %max3A_34 = vector.broadcast %max3A : f32 to vector<512x1xf32>
      %max3A_35 = arith.maximumf %get3A_33, %max3A_34 : vector<512x1xf32>
      %div3A = vector.broadcast %max3A_35 : vector<512x1xf32> to vector<512x256xf32>
      %div3A_36 = arith.divf %get3A_30, %div3A : vector<512x256xf32>
      %get3A_37 = arith.constant 0 : index
      %get3A_38 = arith.constant 0 : index
      %get3A_39 = vector.load %arg5[%get3A_37, %get3A_38] : memref<256x256xf32, #tpu.memory_space<vmem>>, vector<256x256xf32>
      %dot_general3A_40 = arith.constant dense<0.000000e+00> : vector<512x256xf32>
      %dot_general3A_41 = tpu.matmul %div3A_36, %get3A_39, %dot_general3A_40 {dimension_numbers = #tpu.dot_dimension_numbers<[1], [0], [0], [1], [0, 0, 1, 1], [], []>, transpose_lhs_hint = false} : vector<512x256xf32>, vector<256x256xf32>, vector<512x256xf32> -> vector<512x256xf32>
      %get3A_42 = arith.constant 0 : index
      %get3A_43 = arith.constant 0 : index
      %get3A_44 = vector.load %arg4[%get3A_42, %get3A_43] : memref<512x256xf32, #tpu.memory_space<vmem>>, vector<512x256xf32>
      %get3A_45 = arith.constant 0 : index
      %get3A_46 = arith.constant 0 : index
      %get3A_47 = vector.load %arg6[%get3A_45, %get3A_46] : memref<256x256xf32, #tpu.memory_space<vmem>>, vector<256x256xf32>
      %dot_general3A_48 = arith.constant dense<0.000000e+00> : vector<512x256xf32>
      %dot_general3A_49 = tpu.matmul %get3A_44, %get3A_47, %dot_general3A_48 {dimension_numbers = #tpu.dot_dimension_numbers<[1], [0], [0], [1], [0, 0, 1, 1], [], []>, transpose_lhs_hint = false} : vector<512x256xf32>, vector<256x256xf32>, vector<512x256xf32> -> vector<512x256xf32>
      %add3A_50 = arith.addf %dot_general3A_41, %dot_general3A_49 : vector<512x256xf32>
      %get3A_51 = arith.constant 0 : index
      %get3A_52 = arith.constant 0 : index
      %get3A_53 = vector.load %arg7[%get3A_51, %get3A_52] : memref<1x256xf32, #tpu.memory_space<vmem>>, vector<1x256xf32>
      %add3A_54 = vector.broadcast %get3A_53 : vector<1x256xf32> to vector<512x256xf32>
      %add3A_55 = arith.addf %add3A_50, %add3A_54 : vector<512x256xf32>
      %max3A_56 = arith.constant 0.000000e+00 : f32
      %max3A_57 = vector.broadcast %max3A_56 : f32 to vector<512x256xf32>
      %max3A_58 = arith.maximumf %add3A_55, %max3A_57 : vector<512x256xf32>
      %swap3A_59 = arith.constant 0 : index
      %swap3A_60 = arith.constant 0 : index
      %swap3A_61 = vector.load %arg8[%swap3A_59, %swap3A_60] : memref<512x256xf32, #tpu.memory_space<vmem>>, vector<512x256xf32>
      tpu.vector_store %arg8[%swap3A_59, %swap3A_60], %max3A_58 {strides = array<i32>} : memref<512x256xf32, #tpu.memory_space<vmem>>, vector<512x256xf32>,
    } else {
    }
    return
  }
  func.func @transform_0(%arg0: i32, %arg1: i32) -> (i32, i32) {
    %c0_i32 = arith.constant 0 : i32
    return %arg0, %arg1 : i32, i32
  }
  func.func @transform_1(%arg0: i32, %arg1: i32) -> (i32, i32) {
    %c0_i32 = arith.constant 0 : i32
    %c0_i32_0 = arith.constant 0 : i32
    return %arg1, %c0_i32 : i32, i32
  }
  func.func @transform_2(%arg0: i32, %arg1: i32) -> (i32, i32) {
    %c0_i32 = arith.constant 0 : i32
    %c0_i32_0 = arith.constant 0 : i32
    return %arg0, %c0_i32 : i32, i32
  }
  func.func @transform_3(%arg0: i32, %arg1: i32) -> (i32, i32) {
    %c0_i32 = arith.constant 0 : i32
    %c0_i32_0 = arith.constant 0 : i32
    %c0_i32_1 = arith.constant 0 : i32
    return %c0_i32, %c0_i32_0 : i32, i32
  }
  func.func @transform_4(%arg0: i32, %arg1: i32) -> (i32, i32) {
    %c0_i32 = arith.constant 0 : i32
    %c0_i32_0 = arith.constant 0 : i32
    %c0_i32_1 = arith.constant 0 : i32
    return %c0_i32, %c0_i32_0 : i32, i32
  }
  func.func @transform_5(%arg0: i32, %arg1: i32) -> (i32, i32) {
    %c0_i32 = arith.constant 0 : i32
    %c0_i32_0 = arith.constant 0 : i32
    %c0_i32_1 = arith.constant 0 : i32
    return %c0_i32, %c0_i32_0 : i32, i32
  }
  func.func @transform_6(%arg0: i32, %arg1: i32) -> (i32, i32) {
    %c0_i32 = arith.constant 0 : i32
    %c0_i32_0 = arith.constant 0 : i32
    return %arg0, %c0_i32 : i32, i32
  }
}

module attributes {stable_mosaic.version = 14 : i64} {
  func.func @_t4_body(%arg0: i32, %arg1: memref<256x2x256xf32, #tpu.memory_space<vmem>>, %arg2: memref<256x256xf32, #tpu.memory_space<vmem>>) attributes {dimension_semantics = [#tpu.dimension_semantics<arbitrary>], iteration_bounds = array<i64: 5>, scalar_prefetch = 0 : i64, scratch_operands = 0 : i64, tpu.core_type = #tpu.core_type<tc>, window_params = [{transform_indices = @transform_0, window_bounds = array<i64: 256, 2, 256>}, {transform_indices = @transform_1, window_bounds = array<i64: 256, 256>}]} {
    %get3A = arith.constant 0 : index
    %get3A_0 = arith.constant 0 : index
    %get3A_1 = arith.constant 0 : index
    %get3A_2 = vector.load %arg1[%get3A, %get3A_0, %get3A_1] : memref<256x2x256xf32, #tpu.memory_space<vmem>>, vector<256x1x256xf32>
    %get3A_3 = vector.shape_cast %get3A_2 : vector<256x1x256xf32> to vector<256x256xf32>
    %get3A_4 = arith.constant 0 : index
    %get3A_5 = arith.constant 1 : index
    %get3A_6 = arith.constant 0 : index
    %get3A_7 = vector.load %arg1[%get3A_4, %get3A_5, %get3A_6] : memref<256x2x256xf32, #tpu.memory_space<vmem>>, vector<256x1x256xf32>
    %get3A_8 = vector.shape_cast %get3A_7 : vector<256x1x256xf32> to vector<256x256xf32>
    %add3A = arith.addf %get3A_3, %get3A_8 : vector<256x256xf32>
    %mul3A = arith.constant 5.000000e-01 : f32
    %mul3A_9 = vector.broadcast %mul3A : f32 to vector<256x256xf32>
    %mul3A_10 = arith.mulf %add3A, %mul3A_9 : vector<256x256xf32>
    %swap3A = arith.constant 0 : index
    %swap3A_11 = arith.constant 0 : index
    %swap3A_12 = vector.load %arg2[%swap3A, %swap3A_11] : memref<256x256xf32, #tpu.memory_space<vmem>>, vector<256x256xf32>
    tpu.vector_store %arg2[%swap3A, %swap3A_11], %mul3A_10 {strides = array<i32>} : memref<256x256xf32, #tpu.memory_space<vmem>>, vector<256x256xf32>,
    return
  }
  func.func @transform_0(%arg0: i32) -> (i32, i32, i32) {
    %c0_i32 = arith.constant 0 : i32
    %c0_i32_0 = arith.constant 0 : i32
    %c0_i32_1 = arith.constant 0 : i32
    return %arg0, %c0_i32, %c0_i32_0 : i32, i32, i32
  }
  func.func @transform_1(%arg0: i32) -> (i32, i32) {
    %c0_i32 = arith.constant 0 : i32
    %c0_i32_0 = arith.constant 0 : i32
    return %arg0, %c0_i32 : i32, i32
  }
}

module attributes {stable_mosaic.version = 14 : i64} {
  func.func @_t3_body(%arg0: i32, %arg1: i32, %arg2: memref<256x256xf32, #tpu.memory_space<vmem>>, %arg3: memref<256x256xf32, #tpu.memory_space<vmem>>, %arg4: memref<256x256xf32, #tpu.memory_space<vmem>>, %arg5: memref<256x256xf32, #tpu.memory_space<vmem>>, %arg6: memref<256x256xf32, #tpu.memory_space<vmem>>, %arg7: memref<1x256xf32, #tpu.memory_space<vmem>>, %arg8: memref<256x256xf32, #tpu.memory_space<vmem>>, %arg9: memref<256x256xf32, #tpu.memory_space<vmem>>, %arg10: memref<256x1xf32, #tpu.memory_space<vmem>>) attributes {dimension_semantics = [#tpu.dimension_semantics<arbitrary>, #tpu.dimension_semantics<arbitrary>], iteration_bounds = array<i64: 5, 5>, scalar_prefetch = 0 : i64, scratch_operands = 2 : i64, tpu.core_type = #tpu.core_type<tc>, window_params = [{transform_indices = @transform_0, window_bounds = array<i64: 256, 256>}, {transform_indices = @transform_1, window_bounds = array<i64: 256, 256>}, {transform_indices = @transform_2, window_bounds = array<i64: 256, 256>}, {pipeline_mode = #tpu.pipeline_mode<synchronous>, transform_indices = @transform_3, window_bounds = array<i64: 256, 256>}, {pipeline_mode = #tpu.pipeline_mode<synchronous>, transform_indices = @transform_4, window_bounds = array<i64: 256, 256>}, {pipeline_mode = #tpu.pipeline_mode<synchronous>, transform_indices = @transform_5, window_bounds = array<i64: 1, 256>}, {transform_indices = @transform_6, window_bounds = array<i64: 256, 256>}]} {
    %eq3A = arith.constant 0 : i32
    %eq3A_0 = arith.cmpi eq, %arg1, %eq3A : i32
    %convert_element_type3A = arith.extui %eq3A_0 : i1 to i32
    %cond3A = arith.constant 0 : i32
    %cond3A_1 = arith.cmpi ne, %convert_element_type3A, %cond3A : i32
    scf.if %cond3A_1 {
      %broadcast_in_dim3A_28 = arith.constant 0.000000e+00 : f32
      %broadcast_in_dim3A_29 = vector.broadcast %broadcast_in_dim3A_28 : f32 to vector<256x256xf32>
      %swap3A_30 = arith.constant 0 : index
      %swap3A_31 = arith.constant 0 : index
      %swap3A_32 = vector.load %arg9[%swap3A_30, %swap3A_31] : memref<256x256xf32, #tpu.memory_space<vmem>>, vector<256x256xf32>
      tpu.vector_store %arg9[%swap3A_30, %swap3A_31], %broadcast_in_dim3A_29 {strides = array<i32>} : memref<256x256xf32, #tpu.memory_space<vmem>>, vector<256x256xf32>,
      %broadcast_in_dim3A_33 = arith.constant 0.000000e+00 : f32
      %broadcast_in_dim3A_34 = vector.broadcast %broadcast_in_dim3A_33 : f32 to vector<256x1xf32>
      %swap3A_35 = arith.constant 0 : index
      %swap3A_36 = arith.constant 0 : index
      %swap3A_37 = vector.load %arg10[%swap3A_35, %swap3A_36] : memref<256x1xf32, #tpu.memory_space<vmem>>, vector<256x1xf32>
      tpu.vector_store %arg10[%swap3A_35, %swap3A_36], %broadcast_in_dim3A_34 {strides = array<i32>} : memref<256x1xf32, #tpu.memory_space<vmem>>, vector<256x1xf32>,
    } else {
    }
    %get3A = arith.constant 0 : index
    %get3A_2 = arith.constant 0 : index
    %get3A_3 = vector.load %arg2[%get3A, %get3A_2] : memref<256x256xf32, #tpu.memory_space<vmem>>, vector<256x256xf32>
    %min3A = arith.constant 1.000000e+00 : f32
    %min3A_4 = vector.broadcast %min3A : f32 to vector<256x256xf32>
    %min3A_5 = arith.minimumf %get3A_3, %min3A_4 : vector<256x256xf32>
    %get3A_6 = arith.constant 0 : index
    %get3A_7 = arith.constant 0 : index
    %get3A_8 = vector.load %arg9[%get3A_6, %get3A_7] : memref<256x256xf32, #tpu.memory_space<vmem>>, vector<256x256xf32>
    %get3A_9 = arith.constant 0 : index
    %get3A_10 = arith.constant 0 : index
    %get3A_11 = vector.load %arg3[%get3A_9, %get3A_10] : memref<256x256xf32, #tpu.memory_space<vmem>>, vector<256x256xf32>
    %dot_general3A = arith.constant dense<0.000000e+00> : vector<256x256xf32>
    %dot_general3A_12 = tpu.matmul %min3A_5, %get3A_11, %dot_general3A {dimension_numbers = #tpu.dot_dimension_numbers<[1], [0], [0], [1], [0, 0, 1, 1], [], []>, transpose_lhs_hint = false} : vector<256x256xf32>, vector<256x256xf32>, vector<256x256xf32> -> vector<256x256xf32>
    %add3A = arith.addf %get3A_8, %dot_general3A_12 : vector<256x256xf32>
    %swap3A = arith.constant 0 : index
    %swap3A_13 = arith.constant 0 : index
    %swap3A_14 = vector.load %arg9[%swap3A, %swap3A_13] : memref<256x256xf32, #tpu.memory_space<vmem>>, vector<256x256xf32>
    tpu.vector_store %arg9[%swap3A, %swap3A_13], %add3A {strides = array<i32>} : memref<256x256xf32, #tpu.memory_space<vmem>>, vector<256x256xf32>,
    %get3A_15 = arith.constant 0 : index
    %get3A_16 = arith.constant 0 : index
    %get3A_17 = vector.load %arg10[%get3A_15, %get3A_16] : memref<256x1xf32, #tpu.memory_space<vmem>>, vector<256x1xf32>
    %reduce_sum3A = arith.constant dense<0.000000e+00> : vector<256xf32>
    %reduce_sum3A_18 = vector.multi_reduction <add>, %min3A_5, %reduce_sum3A [1] : vector<256x256xf32> to vector<256xf32>
    %broadcast_in_dim3A = vector.shape_cast %reduce_sum3A_18 : vector<256xf32> to vector<256x1xf32>
    %add3A_19 = arith.addf %get3A_17, %broadcast_in_dim3A : vector<256x1xf32>
    %swap3A_20 = arith.constant 0 : index
    %swap3A_21 = arith.constant 0 : index
    %swap3A_22 = vector.load %arg10[%swap3A_20, %swap3A_21] : memref<256x1xf32, #tpu.memory_space<vmem>>, vector<256x1xf32>
    tpu.vector_store %arg10[%swap3A_20, %swap3A_21], %add3A_19 {strides = array<i32>} : memref<256x1xf32, #tpu.memory_space<vmem>>, vector<256x1xf32>,
    %eq3A_23 = arith.constant 4 : i32
    %eq3A_24 = arith.cmpi eq, %arg1, %eq3A_23 : i32
    %convert_element_type3A_25 = arith.extui %eq3A_24 : i1 to i32
    %cond3A_26 = arith.constant 0 : i32
    %cond3A_27 = arith.cmpi ne, %convert_element_type3A_25, %cond3A_26 : i32
    scf.if %cond3A_27 {
      %get3A_28 = arith.constant 0 : index
      %get3A_29 = arith.constant 0 : index
      %get3A_30 = vector.load %arg9[%get3A_28, %get3A_29] : memref<256x256xf32, #tpu.memory_space<vmem>>, vector<256x256xf32>
      %get3A_31 = arith.constant 0 : index
      %get3A_32 = arith.constant 0 : index
      %get3A_33 = vector.load %arg10[%get3A_31, %get3A_32] : memref<256x1xf32, #tpu.memory_space<vmem>>, vector<256x1xf32>
      %max3A = arith.constant 1.000000e+00 : f32
      %max3A_34 = vector.broadcast %max3A : f32 to vector<256x1xf32>
      %max3A_35 = arith.maximumf %get3A_33, %max3A_34 : vector<256x1xf32>
      %div3A = vector.broadcast %max3A_35 : vector<256x1xf32> to vector<256x256xf32>
      %div3A_36 = arith.divf %get3A_30, %div3A : vector<256x256xf32>
      %get3A_37 = arith.constant 0 : index
      %get3A_38 = arith.constant 0 : index
      %get3A_39 = vector.load %arg5[%get3A_37, %get3A_38] : memref<256x256xf32, #tpu.memory_space<vmem>>, vector<256x256xf32>
      %dot_general3A_40 = arith.constant dense<0.000000e+00> : vector<256x256xf32>
      %dot_general3A_41 = tpu.matmul %div3A_36, %get3A_39, %dot_general3A_40 {dimension_numbers = #tpu.dot_dimension_numbers<[1], [0], [0], [1], [0, 0, 1, 1], [], []>, transpose_lhs_hint = false} : vector<256x256xf32>, vector<256x256xf32>, vector<256x256xf32> -> vector<256x256xf32>
      %get3A_42 = arith.constant 0 : index
      %get3A_43 = arith.constant 0 : index
      %get3A_44 = vector.load %arg4[%get3A_42, %get3A_43] : memref<256x256xf32, #tpu.memory_space<vmem>>, vector<256x256xf32>
      %get3A_45 = arith.constant 0 : index
      %get3A_46 = arith.constant 0 : index
      %get3A_47 = vector.load %arg6[%get3A_45, %get3A_46] : memref<256x256xf32, #tpu.memory_space<vmem>>, vector<256x256xf32>
      %dot_general3A_48 = arith.constant dense<0.000000e+00> : vector<256x256xf32>
      %dot_general3A_49 = tpu.matmul %get3A_44, %get3A_47, %dot_general3A_48 {dimension_numbers = #tpu.dot_dimension_numbers<[1], [0], [0], [1], [0, 0, 1, 1], [], []>, transpose_lhs_hint = false} : vector<256x256xf32>, vector<256x256xf32>, vector<256x256xf32> -> vector<256x256xf32>
      %add3A_50 = arith.addf %dot_general3A_41, %dot_general3A_49 : vector<256x256xf32>
      %get3A_51 = arith.constant 0 : index
      %get3A_52 = arith.constant 0 : index
      %get3A_53 = vector.load %arg7[%get3A_51, %get3A_52] : memref<1x256xf32, #tpu.memory_space<vmem>>, vector<1x256xf32>
      %add3A_54 = vector.broadcast %get3A_53 : vector<1x256xf32> to vector<256x256xf32>
      %add3A_55 = arith.addf %add3A_50, %add3A_54 : vector<256x256xf32>
      %max3A_56 = arith.constant 0.000000e+00 : f32
      %max3A_57 = vector.broadcast %max3A_56 : f32 to vector<256x256xf32>
      %max3A_58 = arith.maximumf %add3A_55, %max3A_57 : vector<256x256xf32>
      %swap3A_59 = arith.constant 0 : index
      %swap3A_60 = arith.constant 0 : index
      %swap3A_61 = vector.load %arg8[%swap3A_59, %swap3A_60] : memref<256x256xf32, #tpu.memory_space<vmem>>, vector<256x256xf32>
      tpu.vector_store %arg8[%swap3A_59, %swap3A_60], %max3A_58 {strides = array<i32>} : memref<256x256xf32, #tpu.memory_space<vmem>>, vector<256x256xf32>,
    } else {
    }
    return
  }
  func.func @transform_0(%arg0: i32, %arg1: i32) -> (i32, i32) {
    %c0_i32 = arith.constant 0 : i32
    return %arg0, %arg1 : i32, i32
  }
  func.func @transform_1(%arg0: i32, %arg1: i32) -> (i32, i32) {
    %c0_i32 = arith.constant 0 : i32
    %c0_i32_0 = arith.constant 0 : i32
    return %arg1, %c0_i32 : i32, i32
  }
  func.func @transform_2(%arg0: i32, %arg1: i32) -> (i32, i32) {
    %c0_i32 = arith.constant 0 : i32
    %c0_i32_0 = arith.constant 0 : i32
    return %arg0, %c0_i32 : i32, i32
  }
  func.func @transform_3(%arg0: i32, %arg1: i32) -> (i32, i32) {
    %c0_i32 = arith.constant 0 : i32
    %c0_i32_0 = arith.constant 0 : i32
    %c0_i32_1 = arith.constant 0 : i32
    return %c0_i32, %c0_i32_0 : i32, i32
  }
  func.func @transform_4(%arg0: i32, %arg1: i32) -> (i32, i32) {
    %c0_i32 = arith.constant 0 : i32
    %c0_i32_0 = arith.constant 0 : i32
    %c0_i32_1 = arith.constant 0 : i32
    return %c0_i32, %c0_i32_0 : i32, i32
  }
  func.func @transform_5(%arg0: i32, %arg1: i32) -> (i32, i32) {
    %c0_i32 = arith.constant 0 : i32
    %c0_i32_0 = arith.constant 0 : i32
    %c0_i32_1 = arith.constant 0 : i32
    return %c0_i32, %c0_i32_0 : i32, i32
  }
  func.func @transform_6(%arg0: i32, %arg1: i32) -> (i32, i32) {
    %c0_i32 = arith.constant 0 : i32
    %c0_i32_0 = arith.constant 0 : i32
    return %arg0, %c0_i32 : i32, i32
  }
}

module attributes {stable_mosaic.version = 14 : i64} {
  func.func @_t6_body(%arg0: i32, %arg1: memref<256x256xf32, #tpu.memory_space<vmem>>, %arg2: memref<256x2x256xf32, #tpu.memory_space<vmem>>, %arg3: memref<256x2x256xf32, #tpu.memory_space<vmem>>) attributes {dimension_semantics = [#tpu.dimension_semantics<arbitrary>], iteration_bounds = array<i64: 5>, scalar_prefetch = 0 : i64, scratch_operands = 0 : i64, tpu.core_type = #tpu.core_type<tc>, window_params = [{transform_indices = @transform_0, window_bounds = array<i64: 256, 256>}, {transform_indices = @transform_1, window_bounds = array<i64: 256, 2, 256>}, {transform_indices = @transform_2, window_bounds = array<i64: 256, 2, 256>}]} {
    %get3A = arith.constant 0 : index
    %get3A_0 = arith.constant 0 : index
    %get3A_1 = vector.load %arg1[%get3A, %get3A_0] : memref<256x256xf32, #tpu.memory_space<vmem>>, vector<256x256xf32>
    %broadcast_in_dim3A = vector.shape_cast %get3A_1 : vector<256x256xf32> to vector<256x1x256xf32>
    %get3A_2 = arith.constant 0 : index
    %get3A_3 = arith.constant 0 : index
    %get3A_4 = arith.constant 0 : index
    %get3A_5 = vector.load %arg2[%get3A_2, %get3A_3, %get3A_4] : memref<256x2x256xf32, #tpu.memory_space<vmem>>, vector<256x2x256xf32>
    %add3A = vector.broadcast %broadcast_in_dim3A : vector<256x1x256xf32> to vector<256x2x256xf32>
    %add3A_6 = arith.addf %add3A, %get3A_5 : vector<256x2x256xf32>
    %mul3A = arith.constant 5.000000e-01 : f32
    %mul3A_7 = vector.broadcast %mul3A : f32 to vector<256x2x256xf32>
    %mul3A_8 = arith.mulf %add3A_6, %mul3A_7 : vector<256x2x256xf32>
    %swap3A = arith.constant 0 : index
    %swap3A_9 = arith.constant 0 : index
    %swap3A_10 = arith.constant 0 : index
    %swap3A_11 = vector.load %arg3[%swap3A, %swap3A_9, %swap3A_10] : memref<256x2x256xf32, #tpu.memory_space<vmem>>, vector<256x2x256xf32>
    tpu.vector_store %arg3[%swap3A, %swap3A_9, %swap3A_10], %mul3A_8 {strides = array<i32>} : memref<256x2x256xf32, #tpu.memory_space<vmem>>, vector<256x2x256xf32>,
    return
  }
  func.func @transform_0(%arg0: i32) -> (i32, i32) {
    %c0_i32 = arith.constant 0 : i32
    %c0_i32_0 = arith.constant 0 : i32
    return %arg0, %c0_i32 : i32, i32
  }
  func.func @transform_1(%arg0: i32) -> (i32, i32, i32) {
    %c0_i32 = arith.constant 0 : i32
    %c0_i32_0 = arith.constant 0 : i32
    %c0_i32_1 = arith.constant 0 : i32
    return %arg0, %c0_i32, %c0_i32_0 : i32, i32, i32
  }
  func.func @transform_2(%arg0: i32) -> (i32, i32, i32) {
    %c0_i32 = arith.constant 0 : i32
    %c0_i32_0 = arith.constant 0 : i32
    %c0_i32_1 = arith.constant 0 : i32
    return %arg0, %c0_i32, %c0_i32_0 : i32, i32, i32
  }
}

module attributes {stable_mosaic.version = 14 : i64} {
  func.func @_t6_body(%arg0: i32, %arg1: memref<512x256xf32, #tpu.memory_space<vmem>>, %arg2: memref<512x2x256xf32, #tpu.memory_space<vmem>>, %arg3: memref<512x2x256xf32, #tpu.memory_space<vmem>>) attributes {dimension_semantics = [#tpu.dimension_semantics<arbitrary>], iteration_bounds = array<i64: 5>, scalar_prefetch = 0 : i64, scratch_operands = 0 : i64, tpu.core_type = #tpu.core_type<tc>, window_params = [{transform_indices = @transform_0, window_bounds = array<i64: 512, 256>}, {transform_indices = @transform_1, window_bounds = array<i64: 512, 2, 256>}, {transform_indices = @transform_2, window_bounds = array<i64: 512, 2, 256>}]} {
    %get3A = arith.constant 0 : index
    %get3A_0 = arith.constant 0 : index
    %get3A_1 = vector.load %arg1[%get3A, %get3A_0] : memref<512x256xf32, #tpu.memory_space<vmem>>, vector<512x256xf32>
    %broadcast_in_dim3A = vector.shape_cast %get3A_1 : vector<512x256xf32> to vector<512x1x256xf32>
    %get3A_2 = arith.constant 0 : index
    %get3A_3 = arith.constant 0 : index
    %get3A_4 = arith.constant 0 : index
    %get3A_5 = vector.load %arg2[%get3A_2, %get3A_3, %get3A_4] : memref<512x2x256xf32, #tpu.memory_space<vmem>>, vector<512x2x256xf32>
    %add3A = vector.broadcast %broadcast_in_dim3A : vector<512x1x256xf32> to vector<512x2x256xf32>
    %add3A_6 = arith.addf %add3A, %get3A_5 : vector<512x2x256xf32>
    %mul3A = arith.constant 5.000000e-01 : f32
    %mul3A_7 = vector.broadcast %mul3A : f32 to vector<512x2x256xf32>
    %mul3A_8 = arith.mulf %add3A_6, %mul3A_7 : vector<512x2x256xf32>
    %swap3A = arith.constant 0 : index
    %swap3A_9 = arith.constant 0 : index
    %swap3A_10 = arith.constant 0 : index
    %swap3A_11 = vector.load %arg3[%swap3A, %swap3A_9, %swap3A_10] : memref<512x2x256xf32, #tpu.memory_space<vmem>>, vector<512x2x256xf32>
    tpu.vector_store %arg3[%swap3A, %swap3A_9, %swap3A_10], %mul3A_8 {strides = array<i32>} : memref<512x2x256xf32, #tpu.memory_space<vmem>>, vector<512x2x256xf32>,
    return
  }
  func.func @transform_0(%arg0: i32) -> (i32, i32) {
    %c0_i32 = arith.constant 0 : i32
    %c0_i32_0 = arith.constant 0 : i32
    return %arg0, %c0_i32 : i32, i32
  }
  func.func @transform_1(%arg0: i32) -> (i32, i32, i32) {
    %c0_i32 = arith.constant 0 : i32
    %c0_i32_0 = arith.constant 0 : i32
    %c0_i32_1 = arith.constant 0 : i32
    return %arg0, %c0_i32, %c0_i32_0 : i32, i32, i32
  }
  func.func @transform_2(%arg0: i32) -> (i32, i32, i32) {
    %c0_i32 = arith.constant 0 : i32
    %c0_i32_0 = arith.constant 0 : i32
    %c0_i32_1 = arith.constant 0 : i32
    return %arg0, %c0_i32, %c0_i32_0 : i32, i32, i32
  }
}

module attributes {stable_mosaic.version = 14 : i64} {
  func.func @_t6_body(%arg0: i32, %arg1: memref<512x256xf32, #tpu.memory_space<vmem>>, %arg2: memref<512x2x256xf32, #tpu.memory_space<vmem>>, %arg3: memref<512x2x256xf32, #tpu.memory_space<vmem>>) attributes {dimension_semantics = [#tpu.dimension_semantics<arbitrary>], iteration_bounds = array<i64: 10>, scalar_prefetch = 0 : i64, scratch_operands = 0 : i64, tpu.core_type = #tpu.core_type<tc>, window_params = [{transform_indices = @transform_0, window_bounds = array<i64: 512, 256>}, {transform_indices = @transform_1, window_bounds = array<i64: 512, 2, 256>}, {transform_indices = @transform_2, window_bounds = array<i64: 512, 2, 256>}]} {
    %get3A = arith.constant 0 : index
    %get3A_0 = arith.constant 0 : index
    %get3A_1 = vector.load %arg1[%get3A, %get3A_0] : memref<512x256xf32, #tpu.memory_space<vmem>>, vector<512x256xf32>
    %broadcast_in_dim3A = vector.shape_cast %get3A_1 : vector<512x256xf32> to vector<512x1x256xf32>
    %get3A_2 = arith.constant 0 : index
    %get3A_3 = arith.constant 0 : index
    %get3A_4 = arith.constant 0 : index
    %get3A_5 = vector.load %arg2[%get3A_2, %get3A_3, %get3A_4] : memref<512x2x256xf32, #tpu.memory_space<vmem>>, vector<512x2x256xf32>
    %add3A = vector.broadcast %broadcast_in_dim3A : vector<512x1x256xf32> to vector<512x2x256xf32>
    %add3A_6 = arith.addf %add3A, %get3A_5 : vector<512x2x256xf32>
    %mul3A = arith.constant 5.000000e-01 : f32
    %mul3A_7 = vector.broadcast %mul3A : f32 to vector<512x2x256xf32>
    %mul3A_8 = arith.mulf %add3A_6, %mul3A_7 : vector<512x2x256xf32>
    %swap3A = arith.constant 0 : index
    %swap3A_9 = arith.constant 0 : index
    %swap3A_10 = arith.constant 0 : index
    %swap3A_11 = vector.load %arg3[%swap3A, %swap3A_9, %swap3A_10] : memref<512x2x256xf32, #tpu.memory_space<vmem>>, vector<512x2x256xf32>
    tpu.vector_store %arg3[%swap3A, %swap3A_9, %swap3A_10], %mul3A_8 {strides = array<i32>} : memref<512x2x256xf32, #tpu.memory_space<vmem>>, vector<512x2x256xf32>,
    return
  }
  func.func @transform_0(%arg0: i32) -> (i32, i32) {
    %c0_i32 = arith.constant 0 : i32
    %c0_i32_0 = arith.constant 0 : i32
    return %arg0, %c0_i32 : i32, i32
  }
  func.func @transform_1(%arg0: i32) -> (i32, i32, i32) {
    %c0_i32 = arith.constant 0 : i32
    %c0_i32_0 = arith.constant 0 : i32
    %c0_i32_1 = arith.constant 0 : i32
    return %arg0, %c0_i32, %c0_i32_0 : i32, i32, i32
  }
  func.func @transform_2(%arg0: i32) -> (i32, i32, i32) {
    %c0_i32 = arith.constant 0 : i32
    %c0_i32_0 = arith.constant 0 : i32
    %c0_i32_1 = arith.constant 0 : i32
    return %arg0, %c0_i32, %c0_i32_0 : i32, i32, i32
  }
}

module attributes {stable_mosaic.version = 14 : i64} {
  func.func @_t8_body(%arg0: i32, %arg1: memref<1000x256xf32, #tpu.memory_space<vmem>>, %arg2: memref<256x256xf32, #tpu.memory_space<vmem>>, %arg3: memref<1x256xf32, #tpu.memory_space<vmem>>, %arg4: memref<256x128xf32, #tpu.memory_space<vmem>>, %arg5: memref<1x128xf32, #tpu.memory_space<vmem>>, %arg6: memref<128x64xf32, #tpu.memory_space<vmem>>, %arg7: memref<1x64xf32, #tpu.memory_space<vmem>>, %arg8: memref<64x2xf32, #tpu.memory_space<vmem>>, %arg9: memref<1x2xf32, #tpu.memory_space<vmem>>, %arg10: memref<1000x2xf32, #tpu.memory_space<vmem>>) attributes {dimension_semantics = [#tpu.dimension_semantics<arbitrary>], iteration_bounds = array<i64: 10>, scalar_prefetch = 0 : i64, scratch_operands = 0 : i64, tpu.core_type = #tpu.core_type<tc>, window_params = [{transform_indices = @transform_0, window_bounds = array<i64: 1000, 256>}, {pipeline_mode = #tpu.pipeline_mode<synchronous>, transform_indices = @transform_1, window_bounds = array<i64: 256, 256>}, {pipeline_mode = #tpu.pipeline_mode<synchronous>, transform_indices = @transform_2, window_bounds = array<i64: 1, 256>}, {pipeline_mode = #tpu.pipeline_mode<synchronous>, transform_indices = @transform_3, window_bounds = array<i64: 256, 128>}, {pipeline_mode = #tpu.pipeline_mode<synchronous>, transform_indices = @transform_4, window_bounds = array<i64: 1, 128>}, {pipeline_mode = #tpu.pipeline_mode<synchronous>, transform_indices = @transform_5, window_bounds = array<i64: 128, 64>}, {pipeline_mode = #tpu.pipeline_mode<synchronous>, transform_indices = @transform_6, window_bounds = array<i64: 1, 64>}, {pipeline_mode = #tpu.pipeline_mode<synchronous>, transform_indices = @transform_7, window_bounds = array<i64: 64, 2>}, {pipeline_mode = #tpu.pipeline_mode<synchronous>, transform_indices = @transform_8, window_bounds = array<i64: 1, 2>}, {transform_indices = @transform_9, window_bounds = array<i64: 1000, 2>}]} {
    %get3A = arith.constant 0 : index
    %get3A_0 = arith.constant 0 : index
    %get3A_1 = vector.load %arg1[%get3A, %get3A_0] : memref<1000x256xf32, #tpu.memory_space<vmem>>, vector<1000x256xf32>
    %get3A_2 = arith.constant 0 : index
    %get3A_3 = arith.constant 0 : index
    %get3A_4 = vector.load %arg2[%get3A_2, %get3A_3] : memref<256x256xf32, #tpu.memory_space<vmem>>, vector<256x256xf32>
    %dot_general3A = arith.constant dense<0.000000e+00> : vector<1000x256xf32>
    %dot_general3A_5 = tpu.matmul %get3A_1, %get3A_4, %dot_general3A {dimension_numbers = #tpu.dot_dimension_numbers<[1], [0], [0], [1], [0, 0, 1, 1], [], []>, transpose_lhs_hint = false} : vector<1000x256xf32>, vector<256x256xf32>, vector<1000x256xf32> -> vector<1000x256xf32>
    %get3A_6 = arith.constant 0 : index
    %get3A_7 = arith.constant 0 : index
    %get3A_8 = vector.load %arg3[%get3A_6, %get3A_7] : memref<1x256xf32, #tpu.memory_space<vmem>>, vector<1x256xf32>
    %add3A = vector.broadcast %get3A_8 : vector<1x256xf32> to vector<1000x256xf32>
    %add3A_9 = arith.addf %dot_general3A_5, %add3A : vector<1000x256xf32>
    %max3A = arith.constant 0.000000e+00 : f32
    %max3A_10 = vector.broadcast %max3A : f32 to vector<1000x256xf32>
    %max3A_11 = arith.maximumf %add3A_9, %max3A_10 : vector<1000x256xf32>
    %get3A_12 = arith.constant 0 : index
    %get3A_13 = arith.constant 0 : index
    %get3A_14 = vector.load %arg4[%get3A_12, %get3A_13] : memref<256x128xf32, #tpu.memory_space<vmem>>, vector<256x128xf32>
    %dot_general3A_15 = arith.constant dense<0.000000e+00> : vector<1000x128xf32>
    %dot_general3A_16 = tpu.matmul %max3A_11, %get3A_14, %dot_general3A_15 {dimension_numbers = #tpu.dot_dimension_numbers<[1], [0], [0], [1], [0, 0, 1, 1], [], []>, transpose_lhs_hint = false} : vector<1000x256xf32>, vector<256x128xf32>, vector<1000x128xf32> -> vector<1000x128xf32>
    %get3A_17 = arith.constant 0 : index
    %get3A_18 = arith.constant 0 : index
    %get3A_19 = vector.load %arg5[%get3A_17, %get3A_18] : memref<1x128xf32, #tpu.memory_space<vmem>>, vector<1x128xf32>
    %add3A_20 = vector.broadcast %get3A_19 : vector<1x128xf32> to vector<1000x128xf32>
    %add3A_21 = arith.addf %dot_general3A_16, %add3A_20 : vector<1000x128xf32>
    %max3A_22 = arith.constant 0.000000e+00 : f32
    %max3A_23 = vector.broadcast %max3A_22 : f32 to vector<1000x128xf32>
    %max3A_24 = arith.maximumf %add3A_21, %max3A_23 : vector<1000x128xf32>
    %get3A_25 = arith.constant 0 : index
    %get3A_26 = arith.constant 0 : index
    %get3A_27 = vector.load %arg6[%get3A_25, %get3A_26] : memref<128x64xf32, #tpu.memory_space<vmem>>, vector<128x64xf32>
    %dot_general3A_28 = arith.constant dense<0.000000e+00> : vector<1000x64xf32>
    %dot_general3A_29 = tpu.matmul %max3A_24, %get3A_27, %dot_general3A_28 {dimension_numbers = #tpu.dot_dimension_numbers<[1], [0], [0], [1], [0, 0, 1, 1], [], []>, transpose_lhs_hint = false} : vector<1000x128xf32>, vector<128x64xf32>, vector<1000x64xf32> -> vector<1000x64xf32>
    %get3A_30 = arith.constant 0 : index
    %get3A_31 = arith.constant 0 : index
    %get3A_32 = vector.load %arg7[%get3A_30, %get3A_31] : memref<1x64xf32, #tpu.memory_space<vmem>>, vector<1x64xf32>
    %add3A_33 = vector.broadcast %get3A_32 : vector<1x64xf32> to vector<1000x64xf32>
    %add3A_34 = arith.addf %dot_general3A_29, %add3A_33 : vector<1000x64xf32>
    %max3A_35 = arith.constant 0.000000e+00 : f32
    %max3A_36 = vector.broadcast %max3A_35 : f32 to vector<1000x64xf32>
    %max3A_37 = arith.maximumf %add3A_34, %max3A_36 : vector<1000x64xf32>
    %get3A_38 = arith.constant 0 : index
    %get3A_39 = arith.constant 0 : index
    %get3A_40 = vector.load %arg8[%get3A_38, %get3A_39] : memref<64x2xf32, #tpu.memory_space<vmem>>, vector<64x2xf32>
    %dot_general3A_41 = arith.constant dense<0.000000e+00> : vector<1000x2xf32>
    %dot_general3A_42 = tpu.matmul %max3A_37, %get3A_40, %dot_general3A_41 {dimension_numbers = #tpu.dot_dimension_numbers<[1], [0], [0], [1], [0, 0, 1, 1], [], []>, transpose_lhs_hint = false} : vector<1000x64xf32>, vector<64x2xf32>, vector<1000x2xf32> -> vector<1000x2xf32>
    %get3A_43 = arith.constant 0 : index
    %get3A_44 = arith.constant 0 : index
    %get3A_45 = vector.load %arg9[%get3A_43, %get3A_44] : memref<1x2xf32, #tpu.memory_space<vmem>>, vector<1x2xf32>
    %add3A_46 = vector.broadcast %get3A_45 : vector<1x2xf32> to vector<1000x2xf32>
    %add3A_47 = arith.addf %dot_general3A_42, %add3A_46 : vector<1000x2xf32>
    %reduce_max3A = arith.constant dense<0xFF800000> : vector<1000xf32>
    %reduce_max3A_48 = vector.multi_reduction <maximumf>, %add3A_47, %reduce_max3A [1] : vector<1000x2xf32> to vector<1000xf32>
    %broadcast_in_dim3A = vector.shape_cast %reduce_max3A_48 : vector<1000xf32> to vector<1000x1xf32>
    %sub3A = vector.broadcast %broadcast_in_dim3A : vector<1000x1xf32> to vector<1000x2xf32>
    %sub3A_49 = arith.subf %add3A_47, %sub3A : vector<1000x2xf32>
    %exp3A = math.exp %sub3A_49 : vector<1000x2xf32>
    %reduce_sum3A = arith.constant dense<0.000000e+00> : vector<1000xf32>
    %reduce_sum3A_50 = vector.multi_reduction <add>, %exp3A, %reduce_sum3A [1] : vector<1000x2xf32> to vector<1000xf32>
    %broadcast_in_dim3A_51 = vector.shape_cast %reduce_sum3A_50 : vector<1000xf32> to vector<1000x1xf32>
    %div3A = vector.broadcast %broadcast_in_dim3A_51 : vector<1000x1xf32> to vector<1000x2xf32>
    %div3A_52 = arith.divf %exp3A, %div3A : vector<1000x2xf32>
    %swap3A = arith.constant 0 : index
    %swap3A_53 = arith.constant 0 : index
    %swap3A_54 = vector.load %arg10[%swap3A, %swap3A_53] : memref<1000x2xf32, #tpu.memory_space<vmem>>, vector<1000x2xf32>
    tpu.vector_store %arg10[%swap3A, %swap3A_53], %div3A_52 {strides = array<i32>} : memref<1000x2xf32, #tpu.memory_space<vmem>>, vector<1000x2xf32>,
    return
  }
  func.func @transform_0(%arg0: i32) -> (i32, i32) {
    %c0_i32 = arith.constant 0 : i32
    %c0_i32_0 = arith.constant 0 : i32
    return %arg0, %c0_i32 : i32, i32
  }
  func.func @transform_1(%arg0: i32) -> (i32, i32) {
    %c0_i32 = arith.constant 0 : i32
    %c0_i32_0 = arith.constant 0 : i32
    %c0_i32_1 = arith.constant 0 : i32
    return %c0_i32, %c0_i32_0 : i32, i32
  }
  func.func @transform_2(%arg0: i32) -> (i32, i32) {
    %c0_i32 = arith.constant 0 : i32
    %c0_i32_0 = arith.constant 0 : i32
    %c0_i32_1 = arith.constant 0 : i32
    return %c0_i32, %c0_i32_0 : i32, i32
  }
  func.func @transform_3(%arg0: i32) -> (i32, i32) {
    %c0_i32 = arith.constant 0 : i32
    %c0_i32_0 = arith.constant 0 : i32
    %c0_i32_1 = arith.constant 0 : i32
    return %c0_i32, %c0_i32_0 : i32, i32
  }
  func.func @transform_4(%arg0: i32) -> (i32, i32) {
    %c0_i32 = arith.constant 0 : i32
    %c0_i32_0 = arith.constant 0 : i32
    %c0_i32_1 = arith.constant 0 : i32
    return %c0_i32, %c0_i32_0 : i32, i32
  }
  func.func @transform_5(%arg0: i32) -> (i32, i32) {
    %c0_i32 = arith.constant 0 : i32
    %c0_i32_0 = arith.constant 0 : i32
    %c0_i32_1 = arith.constant 0 : i32
    return %c0_i32, %c0_i32_0 : i32, i32
  }
  func.func @transform_6(%arg0: i32) -> (i32, i32) {
    %c0_i32 = arith.constant 0 : i32
    %c0_i32_0 = arith.constant 0 : i32
    %c0_i32_1 = arith.constant 0 : i32
    return %c0_i32, %c0_i32_0 : i32, i32
  }
  func.func @transform_7(%arg0: i32) -> (i32, i32) {
    %c0_i32 = arith.constant 0 : i32
    %c0_i32_0 = arith.constant 0 : i32
    %c0_i32_1 = arith.constant 0 : i32
    return %c0_i32, %c0_i32_0 : i32, i32
  }
  func.func @transform_8(%arg0: i32) -> (i32, i32) {
    %c0_i32 = arith.constant 0 : i32
    %c0_i32_0 = arith.constant 0 : i32
    %c0_i32_1 = arith.constant 0 : i32
    return %c0_i32, %c0_i32_0 : i32, i32
  }
  func.func @transform_9(%arg0: i32) -> (i32, i32) {
    %c0_i32 = arith.constant 0 : i32
    %c0_i32_0 = arith.constant 0 : i32
    return %arg0, %c0_i32 : i32, i32
  }
}

</mosaic_0001>

<sc_bundles>
// kernel: kernel.25.cloned.1.call-start
scs
__scs_entry_jumppad:
0x0: {  	(pc) =	sbr.rel $0x88, $3  }
0x1: {  	(tag) =	ssettag $0x0;
	lr =	simm.s32 $0x1  }
0x2: {  	[smem:$0x3F8B] =	sst lr;
	_ =	strace $0xD0000000  }
0x3: {  	_ = 	snop  }
0x4: {  	_ = 	snop  }
0x5: {  	_ = 	snop  }
0x6: {  	_ = 	snop  }
0x7: {  	_ = 	snop  }
__scs_overlays_trampoline_lowered:
0x8: {  	[smem:$0x3F9A] =	sst s0  }
0x9: {  	[smem:$0x3F9B] =	sst s1  }
0xa: {  	[smem:$0x3F9C] =	sst s2  }
0xb: {  	[smem:$0x3F9D] =	sst s3  }
0xc: {  	[smem:$0x3F9E] =	sst s4  }
0xd: {  	[smem:$0x3F9F] =	sst s5  }
0xe: {  	[smem:$0x3FA0] =	sst s6  }
0xf: {  	[smem:$0x3FA1] =	sst s7  }
0x10: {  	[smem:$0x3FA2] =	sst s8  }
0x11: {  	[smem:$0x3FA3] =	sst s9;
	s0 =	simm.s32 @!p0 $0x0  }
0x12: {  	s1 =	sld [smem:$0x3F89];
	s0 =	simm.s32 @p0 $0x1  }
0x13: {  	[smem:$0x3FA4] =	sst s0;
	s0 =	simm.s32 @!p1 $0x0  }
0x14: {  	s2 =	sld [smem:$0x3F88];
	s0 =	simm.s32 @p1 $0x1  }
0x15: {  	[smem:$0x3FA5] =	sst s0;
	s0 =	simm.s32 @!p2 $0x0  }
0x16: {  	s3 =	sld [smem:$0x3FDB];
	s0 =	simm.s32 @p2 $0x1  }
0x17: {  	s4 =	simm.s32 $0x1BF5;
	[smem:$0x3FA7] =	sst s0  }
0x18: {  	s0 =	sld [smem:$0x3F8A];
	_ =	swait.ge [sflag:s4], $0x0  }
0x19: {  	s7 =	sld [smem:$0x3F8B]  }
0x1a: {  	s8 =	sadd.s32 $0xFFFFE003, lr  }
0x1b: {  	s9 =	sadd.s32 $0xFFFFFEF7, lr;
	s5 =	simm.s32 $0xFFFFFFFF;
	p2 =	slt.u32 s8, $0xFFFFF086  }
0x1c: {  	p1 =	slt.u32 s9, $0xF7A;
	s5 =	simm.s32 @!p2 $0x0  }
0x1d: {  	s5 =	simm.s32 @p1 $0x1;
	p0 =	seq.s32 s7, s2  }
0x1e: {  	s7 =	smul.u32 @!p0 $0xF7A, s2;
	p2 =	seq.s32 @!p0 s5, $0x0  }
0x1f: {  	s9 =	smul.u32 $0xF7A, s1;
	s8 =	simm.s32 @!p0 $0x1BF5;
	p2 =	por !p2, p0  }
0x20: {  	[sflag:s8] =	ssyncset.s32 @!p0 $0xFFFFF086;
	s6 =	sadd.s32 @!p0 s3, s7;
	s7 =	simm.s32 @!p0 $0x108  }
0x21: {  	s3 =	sadd.s32 s3, s9;
	s6 =	sadd.s32 @!p0 $0x88, s6;
	s7 =	simm.s32 @p2 $0x1082  }
0x22: {  	[simem:s7], [sflag:s8] =	dma.local @!p0 [hbm:s6], $0xF7A  }
0x23: {  	s9 =	sor.u32 $0xD0000000, s2;
	s6 =	simm.s32 $0x108;
	_ =	swait.ge @!p0 [sflag:s8], $0x0  }
0x24: {  	s3 =	sadd.s32 $0x88, s3;
	s6 =	simm.s32 @!p1 $0x1082;
	[sflag:s4] =	ssyncset.s32 $0xFFFFF086  }
0x25: {  	[simem:s6], [sflag:s4] =	dma.local [hbm:s3], $0xF7A  }
0x26: {  	[smem:$0x3F8B] =	sst s1;
	(tag) =	ssettag s2;
	_ =	strace s9  }
0x27: {  	s1 =	sld [smem:$0x3F9B]  }
0x28: {  	s2 =	sld [smem:$0x3F9C]  }
0x29: {  	s4 =	sld [smem:$0x3F9E]  }
0x2a: {  	p0 =	seq.s32 s5, $0x0;
	s5 =	sld [smem:$0x3F9F]  }
0x2b: {  	s6 =	sld [smem:$0x3FA0]  }
0x2c: {  	s7 =	sld [smem:$0x3FA1]  }
0x2d: {  	s3 =	simm.s32 $0x108;
	s8 =	sld [smem:$0x3FA2]  }
0x2e: {  	s3 =	simm.s32 @!p0 $0x1082;
	s9 =	sld [smem:$0x3FA3]  }
0x2f: {  	lr =	sadd.s32 s0, s3;
	s0 =	sld [smem:$0x3F9A]  }
0x30: {  	s3 =	sld [smem:$0x3F9D]  }
0x31: {  	[smem:$0x3FA6] =	sst s10  }
0x32: {  	s10 =	sld [smem:$0x3FA4];
	_ =	sdelay $0x3  }
0x33: {  	p0 =	seq.s32 s10, $0x1;
	s10 =	sld [smem:$0x3FA6];
	_ =	sdelay $0x3  }
0x34: {  	[smem:$0x3FA6] =	sst s10  }
0x35: {  	s10 =	sld [smem:$0x3FA5];
	_ =	sdelay $0x3  }
0x36: {  	p1 =	seq.s32 s10, $0x1;
	s10 =	sld [smem:$0x3FA6];
	_ =	sdelay $0x3  }
0x37: {  	[smem:$0x3FA6] =	sst s10  }
0x38: {  	s10 =	sld [smem:$0x3FA7]  }
0x39: {  	_ = 	snop;
	(pc) =	sbr.ind lr, $3  }
0x3a: {  	_ = 	snop  }
0x3b: {  	_ = 	snop  }
0x3c: {  	p2 =	seq.s32 s10, $0x1;
	s10 =	sld [smem:$0x3FA6]  }
0x3d: {  	_ =	shalt  }
0x3e: {  	_ =	shalt  }
0x3f: {  	_ =	shalt  }
0x40: {  	_ =	shalt  }
0x41: {  	_ =	shalt  }
0x42: {  	_ =	shalt  }
0x43: {  	_ =	shalt  }
0x44: {  	_ =	shalt  }
0x45: {  	_ =	shalt  }
0x46: {  	_ =	shalt  }
0x47: {  	_ =	shalt  }
0x48: {  	_ =	shalt  }
0x49: {  	_ =	shalt  }
0x4a: {  	_ =	shalt  }
0x4b: {  	_ =	shalt  }
0x4c: {  	_ =	shalt  }
0x4d: {  	_ =	shalt  }
0x4e: {  	_ =	shalt  }
0x4f: {  	_ =	shalt  }
0x50: {  	_ =	shalt  }
0x51: {  	_ =	shalt  }
0x52: {  	_ =	shalt  }
0x53: {  	_ =	shalt  }
0x54: {  	_ =	shalt  }
0x55: {  	_ =	shalt  }
0x56: {  	_ =	shalt  }
0x57: {  	_ =	shalt  }
0x58: {  	_ =	shalt  }
0x59: {  	_ =	shalt  }
0x5a: {  	_ =	shalt  }
0x5b: {  	_ =	shalt  }
0x5c: {  	_ =	shalt  }
0x5d: {  	_ =	shalt  }
0x5e: {  	_ =	shalt  }
0x5f: {  	_ =	shalt  }
0x60: {  	_ =	shalt  }
0x61: {  	_ =	shalt  }
0x62: {  	_ =	shalt  }
0x63: {  	_ =	shalt  }
0x64: {  	_ =	shalt  }
0x65: {  	_ =	shalt  }
0x66: {  	_ =	shalt  }
0x67: {  	_ =	shalt  }
0x68: {  	_ =	shalt  }
0x69: {  	_ =	shalt  }
0x6a: {  	_ =	shalt  }
0x6b: {  	_ =	shalt  }
0x6c: {  	_ =	shalt  }
0x6d: {  	_ =	shalt  }
0x6e: {  	_ =	shalt  }
0x6f: {  	_ =	shalt  }
0x70: {  	_ =	shalt  }
0x71: {  	_ =	shalt  }
0x72: {  	_ =	shalt  }
0x73: {  	_ =	shalt  }
0x74: {  	_ =	shalt  }
0x75: {  	_ =	shalt  }
0x76: {  	_ =	shalt  }
0x77: {  	_ =	shalt  }
0x78: {  	_ =	shalt  }
0x79: {  	_ =	shalt  }
0x7a: {  	_ =	shalt  }
0x7b: {  	_ =	shalt  }
0x7c: {  	_ =	shalt  }
0x7d: {  	_ =	shalt  }
0x7e: {  	_ =	shalt  }
0x7f: {  	_ =	shalt  }
0x80: {  	_ =	shalt  }
0x81: {  	_ =	shalt  }
0x82: {  	_ =	shalt  }
0x83: {  	_ =	shalt  }
0x84: {  	_ =	shalt  }
0x85: {  	_ =	shalt  }
0x86: {  	_ =	shalt  }
0x87: {  	_ =	shalt  }
.Lfunc_end0:
.L_simem_size_0:
called_computation_lowered:
.L_overlay_start_0:
0x88: {  	s2 =	sld [smem:$0x3FD9]  }
0x89: {  	s3 =	sld [smem:$0x3FFE];
	_ =	sdelay $0x1  }
0x8a: {  	s1 =	srdreg.scid  }
0x8b: {  	s0 =	sand.u32 $0x1, s1  }
0x8c: {  	s16 =	sshll.u32 s0, $0xA;
	s2 =	sadd.s32 s3, s2  }
0x8d: {  	s2 =	sadd.s32 s2, s16  }
0x8e: {  	[smem:$0x3FB2] =	sst s2  }
0x8f: {  	_ = 	snop  }
0x90: {  	(tm) =	ssettm $0x1  }
0x91: {  	s17 =	sld [smem:$0x3FFB];
	_ =	sdelay $0x3  }
0x92: {  	_ =	strace s17  }
0x93: {  	s2 =	sld [smem:$0x3FFC];
	_ =	sdelay $0x3  }
0x94: {  	_ =	strace s2  }
0x95: {  	s2 =	sld [smem:$0x3FFD];
	_ =	sdelay $0x3  }
0x96: {  	_ =	strace s2  }
0x97: {  	_ =	strace $0x8FFFFFFF  }
0x98: {  	s18 =	sld [smem:$0x3FDB];
	_ =	sdelay $0x1  }
0x99: {  	s19 =	simm.s32 $_scs_section_size  }
0x9a: {  	s4 =	simm.s32 $_size__tile_overlayer_lowered;
	s5 =	simm.s32 $_tile_overlayer_lowered  }
0x9b: {  	s22 =	simm.s32 $0x1BFF;
	s21 =	sshll.u32 s5, $0x1;
	s2 =	sadd.s32 s19, s18  }
0x9c: {  	s6 =	simm.s32 $0x0;
	s20 =	sshll.u32 s4, $0x1;
	s4 =	sadd.s32 s21, s2  }
0x9d: {  	[timem:s6], [sflag:s22] =	dma.local [hbm:s4], s20  }
0x9e: {  	_ =	swait.ge [sflag:s22], s20  }
0x9f: {  	s3 =	ssub.s32 $0x0, s20;
	[sflag:s22] =	ssyncset.done $0x0  }
0xa0: {  	[sflag:s22] =	ssyncadd.s32 s3;
	_ =	sdelay $0x1  }
0xa1: {  	s23 =	simm.s32 $0x1B8B  }
0xa2: {  	_ =	swait.ge [sflag:s23], $0x1  }
0xa3: {  	[sflag:s23] =	ssyncset.done $0x0  }
0xa4: {  	s25 =	simm.s32 $0x1B8E;
	s24 =	sld [smem:$0x3FFE];
	[sflag:s23] =	ssyncadd.s32 $0xFFFFFFFF  }
0xa5: {  	s26 =	simm.s32 $execute0_lowered;
	[smem:$0x3FD2] =	sst s25  }
0xa6: {  	s4 =	sshll.u32 s26, $0x1;
	_ =	strace $0x80000046;
	[dreg:$0x1] =	wrdreg $0xFFFFFFFF  }
0xa7: {  	s28 =	simm.s32 $_size_execute0_lowered;
	s2 =	sadd.s32 s2, s4;
	[dreg:$0x0] =	wrdreg $0x0  }
0xa8: {  	s4 =	sshll.u32 s28, $0x1;
	[dreg:$0x2] =	wrdreg s2  }
0xa9: {  	[dreg:$0x3] =	wrdreg s4  }
0xaa: {  	[dreg:$0x4] =	wrdreg $0xC0  }
0xab: {  	_ =	task [dreg:s6], $0x5FFFF  }
0xac: {  	[dreg:$0x1] =	wrdreg $0xFFFFFFFF  }
0xad: {  	[dreg:$0x0] =	wrdreg $0x60  }
0xae: {  	[dreg:$0x2] =	wrdreg s24  }
0xaf: {  	[dreg:$0x3] =	wrdreg $0x9  }
0xb0: {  	_ =	task.clear_ibuf [dreg:s6], $0x4FFFF;
	_ =	strace $0x90000046  }
0xb1: {  	s29 =	simm.s32 $0x9;
	_ =	strace $0x80000048  }
0xb2: {  	_ =	swait.ge [sflag:s29], $0x1  }
0xb3: {  	[sflag:s29] =	ssyncadd.s32 $0xFFFFFFFF  }
0xb4: {  	_ =	strace $0x90000048  }
0xb5: {  	_ =	sfence  }
0xb6: {  	s30 =	sld [smem:$0x0];
	_ =	sdelay $0x2  }
0xb7: {  	s31 =	sshll.u32 s1, $0xD;
	s1 =	sshrl.u32 s1, $0x2  }
0xb8: {  	s3 =	sand.u32 $0x4000, s31;
	s1 =	sadd.s32 s1, s30  }
0xb9: {  	s0 =	sor.u32 s3, s0;
	s1 =	sshll.u32 s1, $0x11  }
0xba: {  	s0 =	sor.u32 s1, s0  }
0xbb: {  	s0 =	sadd.s32 $0x8F2B, s0  }
0xbc: {  	[sflag:s0] =	ssyncadd.remote.s32 $0x1  }
0xbd: {  	_ =	sfence.sel $0xFFFF  }
0xbe: {  	[dreg:$0x0] =	wrdreg $0xFFFFFFFF;
	(pc) =	sbr.abs _section_cstart, $3  }
0xbf: {  	[dreg:$0x1] =	wrdreg $0xFFFFFFFF  }
0xc0: {  	_ =	task.clear_ibuf [dreg:s6], $0x2FFFF;
	_ =	strace $0x9FFFFFFF  }
0xc1: {  	(tm) =	ssettm $0x7FFFFFFF  }
tec
execute0_lowered:
.L_overlay_start_1:
0x0: {  	(tag) =	ssettag $0x1  }
0x1: {  	s6 =	rddreg [dreg:$0x0];
	s1 =	srdreg.scid  }
0x2: {  	s0 =	rddreg [dreg:$0x1];
	s2 =	simm.s32 $0x0;
	s11 =	simm.s32 $0x2000  }
0x3: {  	s12 =	simm.s32 $0x3000;
	s13 =	simm.s32 $0x1;
	s14 =	simm.s32 $0x2  }
0x4: {  	s15 =	simm.s32 $0x4000;
	s17 =	simm.s32 $0x5680;
	s4 =	sand.u32 $0x1, s1  }
0x5: {  	[smem:$0x7FF] =	sst s2;
	s1 =	stileid.u32;
	s3 =	sshll.u32 s4, $0x4  }
0x6: {  	s18 =	simm.s32 $0x0;
	_ =	strace $0x80000047;
	s5 =	sor.u32 s1, s3  }
0x7: {  	s8 =	ssub.s32 $0x2, s4;
	s4 =	sadd.s32 $0x6C00, s6;
	s7 =	smul.u32 $0x2D0, s5  }
.Ltmp0:
0x8: {  	s3 =	sadd.s32 $0xBC00, s6;
	s10 =	sshrl.u32 s8, $0x1;
	(pc) =	sbr.rel .LBB2_1-.Ltmp0, $4  }
0x9: {  	s9 =	sshll.u32 s5, $0x1;
	s10 =	ssub.s32 s8, s10;
	s16 =	smul.u32 $0x140, s5  }
0xa: {  	s5 =	sadd.s32 $0xBDF4, s6;
	s9 =	sadd.s32 s9, s6;
	s7 =	sadd.s32 s7, s6  }
0xb: {  	s6 =	sadd.s32 $0x6DF4, s6;
	s8 =	sadd.s32 $0x16600, s9;
	s9 =	smax.u32 s10, $0x1  }
0xc: {  	v1 =	vimm.s32 $0x0;
	v2 =	vimm.s32 $0x140;
	s10 =	simm.s32 $0x1000;
	v0 =	vmov s16;
	s16 =	simm.s32 $0x3;
	s7 =	sadd.s32 $0x10C00, s7  }
.LBB2_8:
0xd: {  	[tilespmem:s20+$0x4000] =	vst v2  }
0xe: {  	[tilespmem:s20+$0x4010] =	vst v2  }
0xf: {  	[tilespmem:s20+$0x4020] =	vst v2  }
0x10: {  	[tilespmem:s20+$0x4030] =	vst v2  }
0x11: {  	[hbm4b:s7+s2] =	stream.linear.scatter [tilespmem:s15], [sflag:$0x3], $0x1680, $0x38;
	[tilespmem:$0x5700] =	vst v63  }
0x12: {  	_ =	swait.ge [sflag:s16], $0x1680  }
0x13: {  	s18 =	sadd.s32 $0x1, s18;
	[sflag:s16] =	ssyncset.done $0x0  }
0x14: {  	v3 =	vmov s20;
	p0 =	sne.s32 s18, s9;
	[sflag:s16] =	ssyncadd.s32 $0xFFFFE980  }
.Ltmp1:
0x15: {  	[tilespmem:$0x5680] =	vst v3;
	(pc) =	sbr.rel @!p0 .LBB2_9-.Ltmp1, $4  }
0x16: {  	[hbm4b:s8+s2] =	stream.linear.scatter [tilespmem:s17], [sflag:$0x3], $0x10, $0x38;
	[tilespmem:$0x5700] =	vst v63  }
0x17: {  	_ =	swait.ge [sflag:s16], $0x10  }
0x18: {  	[sflag:s16] =	ssyncset.done $0x0  }
0x19: {  	[sflag:s16] =	ssyncadd.s32 $0xFFFFFFF0  }
.LBB2_1:
0x1a: {  	[tilespmem:s2], [sflag:$0x1] =	stream.linear.gather [hbm4b:s3+s2], $0xFA0, $0x38;
	[tilespmem:$0x5700] =	vst v63  }
0x1b: {  	_ = 	snop  }
0x1c: {  	[tilespmem:s10], [sflag:$0x1] =	stream.linear.gather [hbm4b:s4+s2], $0xFA0, $0x38;
	[tilespmem:$0x5700] =	vst v63  }
0x1d: {  	_ = 	snop  }
0x1e: {  	[tilespmem:s11], [sflag:$0x2] =	stream.linear.gather [hbm4b:s5+s2], $0xFA0, $0x38;
	[tilespmem:$0x5700] =	vst v63  }
0x1f: {  	s20 =	simm.s32 $0x0;
	s19 =	simm.s32 $0x0  }
0x20: {  	[tilespmem:s12], [sflag:$0x2] =	stream.linear.gather [hbm4b:s6+s2], $0xFA0, $0x38;
	[tilespmem:$0x5700] =	vst v63  }
.LBB2_2:
0x21: {  	_ =	swait.ge [sflag:s13], $0xFA0  }
0x22: {  	[sflag:s13] =	ssyncset.done $0x0  }
0x23: {  	[sflag:s13] =	ssyncadd.s32 $0xFFFFF060  }
0x24: {  	_ =	swait.ge [sflag:s13], $0xFA0  }
0x25: {  	[sflag:s13] =	ssyncset.done $0x0  }
0x26: {  	s21 =	simm.s32 $0x0;
	[sflag:s13] =	ssyncadd.s32 $0xFFFFF060  }
0x27: {  	v3 =	vld [tilespmem:s21+$0x1000];
	_ =	sdelay $0x1  }
0x28: {  	v5 =	vld [tilespmem:s21+$0x0];
	_ =	sdelay $0x2  }
0x29: {  	v3 =	vsub.s32 v3, v0  }
0x2a: {  	vm0 =	vlt.u32 v3, $0x140  }
0x2b: {  	v5 =	vshll.u32 v5, $0x9;
	v3 =	vmin.u32 v3, $0x140;
	v4 =	vsel vm0, $0x1, v1  }
0x2c: {  	v3 =	vor.u32 v3, v5;
	(xrf0) =	vadd.scan.msk.s32 $0xffff, v4;
	v4 =	vxor.u32 $0x80000001, v4  }
0x2d: {  	(xrf1) =	vsort.ascd.msk.u32 $0xffff, v4, v3;
	_ =	sdelay $0x4  }
0x2e: {  	v63, _, _ =	vpop (xrf0)  }
0x2f: {  	(v2sf) =	vpush v63, $0xF;
	_ =	sdelay $0x1  }
0x30: {  	s22 =	simm.s32 $0x80;
	s21 =	simm.s32 $0x40  }
.LBB2_3:
0x31: {  	p0 =	sne.s32 s22, $0x3E40;
	_ =	sdelay $0x4  }
0x32: {  	_, v3, _ =	vpop (xrf1)  }
0x33: {  	s23 =	sshra.s32 s21, $0x2;
	s21 =	smov.u32 s22;
	[tilespmem:s20+$0x4000] =	vst v3  }
0x34: {  	v3 =	vld [tilespmem:s23+$0x1000];
	_ =	sdelay $0x1  }
0x35: {  	v4 =	vld [tilespmem:s23+$0x0];
	_ =	sdelay $0x2  }
0x36: {  	v3 =	vsub.s32 v3, v0;
	s23 =	spop (v2sf)  }
0x37: {  	vm0 =	vlt.u32 v3, $0x140;
	s20 =	sadd.s32 s20, s23  }
0x38: {  	v3 =	vmin.u32 v3, $0x140;
	v5 =	vsel vm0, $0x1, v1;
	v4 =	vshll.u32 v4, $0x9  }
0x39: {  	v3 =	vor.u32 v3, v4;
	v4 =	vxor.u32 $0x80000001, v5;
	(xrf0) =	vadd.scan.msk.s32 $0xffff, v5  }
0x3a: {  	(xrf1) =	vsort.ascd.msk.u32 $0xffff, v4, v3;
	_ =	sdelay $0x3  }
.Ltmp2:
0x3b: {  	(pc) =	sbr.rel @p0 .LBB2_3-.Ltmp2, $3  }
0x3c: {  	v3, _, _ =	vpop (xrf0)  }
0x3d: {  	(v2sf) =	vpush v3, $0xF;
	_ =	sdelay $0x1  }
0x3e: {  	s22 =	sadd.s32 $0x40, s22  }
0x3f: {  	_ =	sdelay $0x4  }
0x40: {  	_, v3, _ =	vpop (xrf1)  }
0x41: {  	s21 =	sshra.s32 s21, $0x2;
	[tilespmem:s20+$0x4000] =	vst v3  }
0x42: {  	v3 =	vld [tilespmem:s21+$0x1000];
	_ =	sdelay $0x3  }
0x43: {  	v4 =	vld [tilespmem:s21+$0x0]  }
0x44: {  	v3 =	vsub.s32 v3, v0  }
0x45: {  	vm0 =	vlt.u32 v3, $0x140  }
0x46: {  	v5 =	vsel vm0, $0x1, v1  }
0x47: {  	(xrf0) =	vadd.scan.msk.s32 $0xffff, v5  }
0x48: {  	v4 =	vshll.u32 v4, $0x9;
	v3 =	vmin.u32 v3, $0x140  }
0x49: {  	v3 =	vor.u32 v3, v4;
	v60 =	vxor.u32 $0x80000001, v5  }
0x4a: {  	(xrf1) =	vsort.ascd.msk.u32 $0xffff, v60, v3;
	_ =	sdelay $0x2  }
0x4b: {  	v3, _, _ =	vpop (xrf0)  }
0x4c: {  	(v2sf) =	vpush v3, $0xF;
	_ =	sdelay $0x5  }
0x4d: {  	p0 =	seq.s32 s19, $0x13  }
0x4e: {  	s21 =	smul.u32 @!p0 $0x1F40, s19;
	_ =	sdelay $0x1  }
0x4f: {  	s21 =	sshrl.u32 @!p0 s21, $0x3;
	s22 =	spop (v2sf)  }
0x50: {  	s21 =	sadd.s32 @!p0 $0x3E8, s21;
	s29 =	sadd.s32 s20, s22;
	_, v3, _ =	vpop (xrf1)  }
0x51: {  	s23 =	simm.s32 @!p0 $0x0;
	s22 =	sadd.s32 @!p0 s3, s21;
	[tilespmem:s29+$0x4000] =	vst v3  }
0x52: {  	[tilespmem:s23], [sflag:$0x1] =	stream.linear.gather @!p0 [hbm4b:s22+s23], $0xFA0, $0x38;
	[tilespmem:$0x5700] =	vst v63  }
0x53: {  	s21 =	sadd.s32 @!p0 s4, s21;
	s22 =	simm.s32 @!p0 $0x1000  }
0x54: {  	[tilespmem:s22], [sflag:$0x1] =	stream.linear.gather @!p0 [hbm4b:s21+s23], $0xFA0, $0x38;
	[tilespmem:$0x5700] =	vst v63  }
0x55: {  	s30 =	spop (v2sf)  }
0x56: {  	_ =	swait.ge [sflag:s14], $0xFA0  }
0x57: {  	[sflag:s14] =	ssyncset.done $0x0  }
0x58: {  	[sflag:s14] =	ssyncadd.s32 $0xFFFFF060  }
0x59: {  	_ =	swait.ge [sflag:s14], $0xFA0  }
0x5a: {  	[sflag:s14] =	ssyncset.done $0x0  }
0x5b: {  	s31 =	simm.s32 $0x0;
	[sflag:s14] =	ssyncadd.s32 $0xFFFFF060  }
0x5c: {  	v3 =	vld [tilespmem:s31+$0x3000];
	_ =	sdelay $0x1  }
0x5d: {  	v62 =	vld [tilespmem:s31+$0x2000];
	_ =	sdelay $0x2  }
0x5e: {  	v3 =	vsub.s32 v3, v0  }
0x5f: {  	vm15 =	vlt.u32 v3, $0x140  }
0x60: {  	v5 =	vshll.u32 v62, $0x9;
	v3 =	vmin.u32 v3, $0x140;
	v61 =	vsel vm15, $0x1, v1  }
0x61: {  	v3 =	vor.u32 v3, v5;
	(xrf0) =	vadd.scan.msk.s32 $0xffff, v61;
	v4 =	vxor.u32 $0x80000001, v61  }
0x62: {  	(xrf1) =	vsort.ascd.msk.u32 $0xffff, v4, v3;
	_ =	sdelay $0x4  }
0x63: {  	v63, _, _ =	vpop (xrf0)  }
0x64: {  	(v2sf) =	vpush v63, $0xF;
	_ =	sdelay $0x1  }
0x65: {  	s21 =	simm.s32 $0x40;
	s22 =	simm.s32 $0x80;
	s20 =	sadd.s32 s29, s30  }
.LBB2_5:
0x66: {  	p1 =	sne.s32 s22, $0x3E40;
	_ =	sdelay $0x4  }
0x67: {  	_, v3, _ =	vpop (xrf1)  }
0x68: {  	s23 =	sshra.s32 s21, $0x2;
	s21 =	smov.u32 s22;
	[tilespmem:s20+$0x4000] =	vst v3  }
0x69: {  	v3 =	vld [tilespmem:s23+$0x3000];
	_ =	sdelay $0x1  }
0x6a: {  	v4 =	vld [tilespmem:s23+$0x2000];
	_ =	sdelay $0x2  }
0x6b: {  	v3 =	vsub.s32 v3, v0;
	s23 =	spop (v2sf)  }
0x6c: {  	vm0 =	vlt.u32 v3, $0x140;
	s20 =	sadd.s32 s20, s23  }
0x6d: {  	v3 =	vmin.u32 v3, $0x140;
	v5 =	vsel vm0, $0x1, v1;
	v4 =	vshll.u32 v4, $0x9  }
0x6e: {  	v3 =	vor.u32 v3, v4;
	v4 =	vxor.u32 $0x80000001, v5;
	(xrf0) =	vadd.scan.msk.s32 $0xffff, v5  }
0x6f: {  	(xrf1) =	vsort.ascd.msk.u32 $0xffff, v4, v3;
	_ =	sdelay $0x3  }
.Ltmp3:
0x70: {  	(pc) =	sbr.rel @p1 .LBB2_5-.Ltmp3, $3  }
0x71: {  	v3, _, _ =	vpop (xrf0)  }
0x72: {  	(v2sf) =	vpush v3, $0xF;
	_ =	sdelay $0x1  }
0x73: {  	s22 =	sadd.s32 $0x40, s22  }
0x74: {  	_ =	sdelay $0x4  }
0x75: {  	_, v3, _ =	vpop (xrf1)  }
0x76: {  	s21 =	sshra.s32 s21, $0x2;
	[tilespmem:s20+$0x4000] =	vst v3  }
0x77: {  	v3 =	vld [tilespmem:s21+$0x3000];
	_ =	sdelay $0x4  }
0x78: {  	v3 =	vsub.s32 v3, v0  }
0x79: {  	vm0 =	vlt.u32 v3, $0x140  }
0x7a: {  	v4 =	vsel vm0, $0x1, v1  }
0x7b: {  	(xrf0) =	vadd.scan.msk.s32 $0xffff, v4  }
0x7c: {  	v5 =	vld [tilespmem:s21+$0x2000];
	_ =	sdelay $0x4  }
0x7d: {  	v5 =	vshll.u32 v5, $0x9;
	v3 =	vmin.u32 v3, $0x140;
	v6, _, _ =	vpop (xrf0)  }
0x7e: {  	v3 =	vor.u32 v3, v5;
	v4 =	vxor.u32 $0x80000001, v4;
	(v2sf) =	vpush v6, $0xF  }
0x7f: {  	(xrf1) =	vsort.ascd.msk.u32 $0xffff, v4, v3;
	_ =	sdelay $0xa  }
.Ltmp4:
0x80: {  	_ = 	snop;
	(pc) =	sbr.rel @p0 .LBB2_8-.Ltmp4, $4  }
0x81: {  	_ = 	snop  }
0x82: {  	s29 =	spop (v2sf)  }
0x83: {  	s30 =	sadd.s32 s20, s29;
	_, v3, _ =	vpop (xrf1);
	s31 =	spop (v2sf)  }
0x84: {  	[tilespmem:s30+$0x4000] =	vst v3;
	s20 =	sadd.s32 s30, s31  }
0x85: {  	s21 =	smul.u32 $0x1F40, s19;
	_ =	sdelay $0x1  }
0x86: {  	s21 =	sshrl.u32 s21, $0x3  }
.Ltmp5:
0x87: {  	s21 =	sadd.s32 $0x5DC, s21;
	(pc) =	sbr.rel .LBB2_2-.Ltmp5, $4  }
0x88: {  	s22 =	sadd.s32 s3, s21  }
0x89: {  	[tilespmem:s11], [sflag:$0x2] =	stream.linear.gather [hbm4b:s22+s2], $0xFA0, $0x38;
	[tilespmem:$0x5700] =	vst v63  }
0x8a: {  	s19 =	sadd.s32 $0x1, s19;
	s21 =	sadd.s32 s4, s21  }
0x8b: {  	[tilespmem:s12], [sflag:$0x2] =	stream.linear.gather [hbm4b:s21+s2], $0xFA0, $0x38;
	[tilespmem:$0x5700] =	vst v63  }
.LBB2_9:
0x8c: {  	_ =	sfence.sel $0x180000  }
0x8d: {  	[bflag:$0x0] =	sbarrier.arrive $0xFFFF  }
0x8e: {  	p0 =	sne.s32 s1, $0x0;
	_ =	strace $0x90000047  }
0x8f: {  	s0 =	sadd.s32 @!p0 $0x100000, s0;
	[bflag:$0x2] =	sbarrier.arrive $0xFFFF  }
0x90: {  	[sflag:s0] =	ssyncadd.tile.s32 @!p0 $0x1;
	_ =	shalt  }
.Lfunc_end2:
_tile_overlayer_lowered:
.L_overlay_start_2:
0x91: {  	(tag) =	ssettag $0x2  }
0x92: {  	s0 =	rddreg [dreg:$0x0];
	s2 =	stileid.u32  }
0x93: {  	s1 =	rddreg [dreg:$0x1];
	p0 =	sne.s32 s2, $0x0  }
0x94: {  	s3 =	rddreg [dreg:$0x2];
	[bflag:$0x3] =	sbarrier.arrive $0xFFFF;
	s2 =	simm.s32 @!p0 $0x1C03  }
0x95: {  	[timem:s3], [sflag:s2] =	dma.local @!p0 [hbm:s0], s1  }
0x96: {  	s0 =	simm.s32 @!p0 $0x3  }
0x97: {  	_ =	swait.ge @!p0 [sflag:s0], s1  }
0x98: {  	s1 =	ssub.s32 @!p0 $0x0, s1;
	[sflag:s0] =	ssyncset.done @!p0 $0x0  }
0x99: {  	[sflag:s0] =	ssyncadd.s32 @!p0 s1  }
0x9a: {  	[bflag:$0x3] =	sbarrier.arrive $0xFFFF  }
0x9b: {  	_ =	shalt  }

// kernel: kernel.28.cloned.1.call-start
scs
__scs_entry_jumppad:
0x0: {  	(pc) =	sbr.rel $0x88, $3  }
0x1: {  	(tag) =	ssettag $0x0;
	lr =	simm.s32 $0x1  }
0x2: {  	[smem:$0x3F8B] =	sst lr;
	_ =	strace $0xD0000000  }
0x3: {  	_ = 	snop  }
0x4: {  	_ = 	snop  }
0x5: {  	_ = 	snop  }
0x6: {  	_ = 	snop  }
0x7: {  	_ = 	snop  }
__scs_overlays_trampoline_lowered:
0x8: {  	[smem:$0x3F9A] =	sst s0  }
0x9: {  	[smem:$0x3F9B] =	sst s1  }
0xa: {  	[smem:$0x3F9C] =	sst s2  }
0xb: {  	[smem:$0x3F9D] =	sst s3  }
0xc: {  	[smem:$0x3F9E] =	sst s4  }
0xd: {  	[smem:$0x3F9F] =	sst s5  }
0xe: {  	[smem:$0x3FA0] =	sst s6  }
0xf: {  	[smem:$0x3FA1] =	sst s7  }
0x10: {  	[smem:$0x3FA2] =	sst s8  }
0x11: {  	[smem:$0x3FA3] =	sst s9;
	s0 =	simm.s32 @!p0 $0x0  }
0x12: {  	s1 =	sld [smem:$0x3F89];
	s0 =	simm.s32 @p0 $0x1  }
0x13: {  	[smem:$0x3FA4] =	sst s0;
	s0 =	simm.s32 @!p1 $0x0  }
0x14: {  	s2 =	sld [smem:$0x3F88];
	s0 =	simm.s32 @p1 $0x1  }
0x15: {  	[smem:$0x3FA5] =	sst s0;
	s0 =	simm.s32 @!p2 $0x0  }
0x16: {  	s3 =	sld [smem:$0x3FDB];
	s0 =	simm.s32 @p2 $0x1  }
0x17: {  	s4 =	simm.s32 $0x1BF5;
	[smem:$0x3FA7] =	sst s0  }
0x18: {  	s0 =	sld [smem:$0x3F8A];
	_ =	swait.ge [sflag:s4], $0x0  }
0x19: {  	s7 =	sld [smem:$0x3F8B]  }
0x1a: {  	s8 =	sadd.s32 $0xFFFFE003, lr  }
0x1b: {  	s9 =	sadd.s32 $0xFFFFFEF7, lr;
	s5 =	simm.s32 $0xFFFFFFFF;
	p2 =	slt.u32 s8, $0xFFFFF086  }
0x1c: {  	p1 =	slt.u32 s9, $0xF7A;
	s5 =	simm.s32 @!p2 $0x0  }
0x1d: {  	s5 =	simm.s32 @p1 $0x1;
	p0 =	seq.s32 s7, s2  }
0x1e: {  	s7 =	smul.u32 @!p0 $0xF7A, s2;
	p2 =	seq.s32 @!p0 s5, $0x0  }
0x1f: {  	s9 =	smul.u32 $0xF7A, s1;
	s8 =	simm.s32 @!p0 $0x1BF5;
	p2 =	por !p2, p0  }
0x20: {  	[sflag:s8] =	ssyncset.s32 @!p0 $0xFFFFF086;
	s6 =	sadd.s32 @!p0 s3, s7;
	s7 =	simm.s32 @!p0 $0x108  }
0x21: {  	s3 =	sadd.s32 s3, s9;
	s6 =	sadd.s32 @!p0 $0x88, s6;
	s7 =	simm.s32 @p2 $0x1082  }
0x22: {  	[simem:s7], [sflag:s8] =	dma.local @!p0 [hbm:s6], $0xF7A  }
0x23: {  	s9 =	sor.u32 $0xD0000000, s2;
	s6 =	simm.s32 $0x108;
	_ =	swait.ge @!p0 [sflag:s8], $0x0  }
0x24: {  	s3 =	sadd.s32 $0x88, s3;
	s6 =	simm.s32 @!p1 $0x1082;
	[sflag:s4] =	ssyncset.s32 $0xFFFFF086  }
0x25: {  	[simem:s6], [sflag:s4] =	dma.local [hbm:s3], $0xF7A  }
0x26: {  	[smem:$0x3F8B] =	sst s1;
	(tag) =	ssettag s2;
	_ =	strace s9  }
0x27: {  	s1 =	sld [smem:$0x3F9B]  }
0x28: {  	s2 =	sld [smem:$0x3F9C]  }
0x29: {  	s4 =	sld [smem:$0x3F9E]  }
0x2a: {  	p0 =	seq.s32 s5, $0x0;
	s5 =	sld [smem:$0x3F9F]  }
0x2b: {  	s6 =	sld [smem:$0x3FA0]  }
0x2c: {  	s7 =	sld [smem:$0x3FA1]  }
0x2d: {  	s3 =	simm.s32 $0x108;
	s8 =	sld [smem:$0x3FA2]  }
0x2e: {  	s3 =	simm.s32 @!p0 $0x1082;
	s9 =	sld [smem:$0x3FA3]  }
0x2f: {  	lr =	sadd.s32 s0, s3;
	s0 =	sld [smem:$0x3F9A]  }
0x30: {  	s3 =	sld [smem:$0x3F9D]  }
0x31: {  	[smem:$0x3FA6] =	sst s10  }
0x32: {  	s10 =	sld [smem:$0x3FA4];
	_ =	sdelay $0x3  }
0x33: {  	p0 =	seq.s32 s10, $0x1;
	s10 =	sld [smem:$0x3FA6];
	_ =	sdelay $0x3  }
0x34: {  	[smem:$0x3FA6] =	sst s10  }
0x35: {  	s10 =	sld [smem:$0x3FA5];
	_ =	sdelay $0x3  }
0x36: {  	p1 =	seq.s32 s10, $0x1;
	s10 =	sld [smem:$0x3FA6];
	_ =	sdelay $0x3  }
0x37: {  	[smem:$0x3FA6] =	sst s10  }
0x38: {  	s10 =	sld [smem:$0x3FA7]  }
0x39: {  	_ = 	snop;
	(pc) =	sbr.ind lr, $3  }
0x3a: {  	_ = 	snop  }
0x3b: {  	_ = 	snop  }
0x3c: {  	p2 =	seq.s32 s10, $0x1;
	s10 =	sld [smem:$0x3FA6]  }
0x3d: {  	_ =	shalt  }
0x3e: {  	_ =	shalt  }
0x3f: {  	_ =	shalt  }
0x40: {  	_ =	shalt  }
0x41: {  	_ =	shalt  }
0x42: {  	_ =	shalt  }
0x43: {  	_ =	shalt  }
0x44: {  	_ =	shalt  }
0x45: {  	_ =	shalt  }
0x46: {  	_ =	shalt  }
0x47: {  	_ =	shalt  }
0x48: {  	_ =	shalt  }
0x49: {  	_ =	shalt  }
0x4a: {  	_ =	shalt  }
0x4b: {  	_ =	shalt  }
0x4c: {  	_ =	shalt  }
0x4d: {  	_ =	shalt  }
0x4e: {  	_ =	shalt  }
0x4f: {  	_ =	shalt  }
0x50: {  	_ =	shalt  }
0x51: {  	_ =	shalt  }
0x52: {  	_ =	shalt  }
0x53: {  	_ =	shalt  }
0x54: {  	_ =	shalt  }
0x55: {  	_ =	shalt  }
0x56: {  	_ =	shalt  }
0x57: {  	_ =	shalt  }
0x58: {  	_ =	shalt  }
0x59: {  	_ =	shalt  }
0x5a: {  	_ =	shalt  }
0x5b: {  	_ =	shalt  }
0x5c: {  	_ =	shalt  }
0x5d: {  	_ =	shalt  }
0x5e: {  	_ =	shalt  }
0x5f: {  	_ =	shalt  }
0x60: {  	_ =	shalt  }
0x61: {  	_ =	shalt  }
0x62: {  	_ =	shalt  }
0x63: {  	_ =	shalt  }
0x64: {  	_ =	shalt  }
0x65: {  	_ =	shalt  }
0x66: {  	_ =	shalt  }
0x67: {  	_ =	shalt  }
0x68: {  	_ =	shalt  }
0x69: {  	_ =	shalt  }
0x6a: {  	_ =	shalt  }
0x6b: {  	_ =	shalt  }
0x6c: {  	_ =	shalt  }
0x6d: {  	_ =	shalt  }
0x6e: {  	_ =	shalt  }
0x6f: {  	_ =	shalt  }
0x70: {  	_ =	shalt  }
0x71: {  	_ =	shalt  }
0x72: {  	_ =	shalt  }
0x73: {  	_ =	shalt  }
0x74: {  	_ =	shalt  }
0x75: {  	_ =	shalt  }
0x76: {  	_ =	shalt  }
0x77: {  	_ =	shalt  }
0x78: {  	_ =	shalt  }
0x79: {  	_ =	shalt  }
0x7a: {  	_ =	shalt  }
0x7b: {  	_ =	shalt  }
0x7c: {  	_ =	shalt  }
0x7d: {  	_ =	shalt  }
0x7e: {  	_ =	shalt  }
0x7f: {  	_ =	shalt  }
0x80: {  	_ =	shalt  }
0x81: {  	_ =	shalt  }
0x82: {  	_ =	shalt  }
0x83: {  	_ =	shalt  }
0x84: {  	_ =	shalt  }
0x85: {  	_ =	shalt  }
0x86: {  	_ =	shalt  }
0x87: {  	_ =	shalt  }
.Lfunc_end0:
.L_simem_size_0:
called_computation.1_lowered:
.L_overlay_start_0:
0x88: {  	s2 =	sld [smem:$0x3FD9]  }
0x89: {  	s3 =	sld [smem:$0x3FFE];
	_ =	sdelay $0x1  }
0x8a: {  	s1 =	srdreg.scid  }
0x8b: {  	s0 =	sand.u32 $0x1, s1  }
0x8c: {  	s16 =	sshll.u32 s0, $0xA;
	s2 =	sadd.s32 s3, s2  }
0x8d: {  	s2 =	sadd.s32 s2, s16  }
0x8e: {  	[smem:$0x3FB2] =	sst s2  }
0x8f: {  	_ = 	snop  }
0x90: {  	(tm) =	ssettm $0x1  }
0x91: {  	s17 =	sld [smem:$0x3FFB];
	_ =	sdelay $0x3  }
0x92: {  	_ =	strace s17  }
0x93: {  	s2 =	sld [smem:$0x3FFC];
	_ =	sdelay $0x3  }
0x94: {  	_ =	strace s2  }
0x95: {  	s2 =	sld [smem:$0x3FFD];
	_ =	sdelay $0x3  }
0x96: {  	_ =	strace s2  }
0x97: {  	_ =	strace $0x8FFFFFFF  }
0x98: {  	s18 =	sld [smem:$0x3FDB];
	_ =	sdelay $0x1  }
0x99: {  	s19 =	simm.s32 $_scs_section_size  }
0x9a: {  	s4 =	simm.s32 $_size__tile_overlayer_lowered;
	s5 =	simm.s32 $_tile_overlayer_lowered  }
0x9b: {  	s22 =	simm.s32 $0x1BFF;
	s21 =	sshll.u32 s5, $0x1;
	s2 =	sadd.s32 s19, s18  }
0x9c: {  	s6 =	simm.s32 $0x0;
	s20 =	sshll.u32 s4, $0x1;
	s4 =	sadd.s32 s21, s2  }
0x9d: {  	[timem:s6], [sflag:s22] =	dma.local [hbm:s4], s20  }
0x9e: {  	_ =	swait.ge [sflag:s22], s20  }
0x9f: {  	s3 =	ssub.s32 $0x0, s20;
	[sflag:s22] =	ssyncset.done $0x0  }
0xa0: {  	[sflag:s22] =	ssyncadd.s32 s3;
	_ =	sdelay $0x1  }
0xa1: {  	s23 =	simm.s32 $0x1B8B  }
0xa2: {  	_ =	swait.ge [sflag:s23], $0x1  }
0xa3: {  	[sflag:s23] =	ssyncset.done $0x0  }
0xa4: {  	s25 =	simm.s32 $0x1B8E;
	s24 =	sld [smem:$0x3FFE];
	[sflag:s23] =	ssyncadd.s32 $0xFFFFFFFF  }
0xa5: {  	s26 =	simm.s32 $execute0_lowered;
	[smem:$0x3FD2] =	sst s25  }
0xa6: {  	s4 =	sshll.u32 s26, $0x1;
	_ =	strace $0x80000049;
	[dreg:$0x1] =	wrdreg $0xFFFFFFFF  }
0xa7: {  	s28 =	simm.s32 $_size_execute0_lowered;
	s2 =	sadd.s32 s2, s4;
	[dreg:$0x0] =	wrdreg $0x0  }
0xa8: {  	s4 =	sshll.u32 s28, $0x1;
	[dreg:$0x2] =	wrdreg s2  }
0xa9: {  	[dreg:$0x3] =	wrdreg s4  }
0xaa: {  	[dreg:$0x4] =	wrdreg $0xC0  }
0xab: {  	_ =	task [dreg:s6], $0x5FFFF  }
0xac: {  	[dreg:$0x1] =	wrdreg $0xFFFFFFFF  }
0xad: {  	[dreg:$0x0] =	wrdreg $0x60  }
0xae: {  	[dreg:$0x2] =	wrdreg s24  }
0xaf: {  	[dreg:$0x3] =	wrdreg $0x9  }
0xb0: {  	_ =	task.clear_ibuf [dreg:s6], $0x4FFFF;
	_ =	strace $0x90000049  }
0xb1: {  	s29 =	simm.s32 $0x9;
	_ =	strace $0x8000004B  }
0xb2: {  	_ =	swait.ge [sflag:s29], $0x1  }
0xb3: {  	[sflag:s29] =	ssyncadd.s32 $0xFFFFFFFF  }
0xb4: {  	_ =	strace $0x9000004B  }
0xb5: {  	_ =	sfence  }
0xb6: {  	s30 =	sld [smem:$0x0];
	_ =	sdelay $0x2  }
0xb7: {  	s31 =	sshll.u32 s1, $0xD;
	s1 =	sshrl.u32 s1, $0x2  }
0xb8: {  	s3 =	sand.u32 $0x4000, s31;
	s1 =	sadd.s32 s1, s30  }
0xb9: {  	s0 =	sor.u32 s3, s0;
	s1 =	sshll.u32 s1, $0x11  }
0xba: {  	s0 =	sor.u32 s1, s0  }
0xbb: {  	s0 =	sadd.s32 $0x8F2B, s0  }
0xbc: {  	[sflag:s0] =	ssyncadd.remote.s32 $0x1  }
0xbd: {  	_ =	sfence.sel $0xFFFF  }
0xbe: {  	[dreg:$0x0] =	wrdreg $0xFFFFFFFF;
	(pc) =	sbr.abs _section_cstart, $3  }
0xbf: {  	[dreg:$0x1] =	wrdreg $0xFFFFFFFF  }
0xc0: {  	_ =	task.clear_ibuf [dreg:s6], $0x2FFFF;
	_ =	strace $0x9FFFFFFF  }
0xc1: {  	(tm) =	ssettm $0x7FFFFFFF  }
tec
execute0_lowered:
.L_overlay_start_1:
0x0: {  	(tag) =	ssettag $0x1  }
0x1: {  	s0 =	srdreg.scid  }
0x2: {  	s7 =	sand.u32 $0x1, s0  }
0x3: {  	s1 =	stileid.u32;
	s3 =	sshll.u32 s7, $0x4  }
0x4: {  	s9 =	rddreg [dreg:$0x0];
	s13 =	sor.u32 s1, s3  }
0x5: {  	s2 =	simm.s32 $0x0;
	s0 =	rddreg [dreg:$0x1];
	s3 =	smul.u32 $0x2D0, s13  }
0x6: {  	s18 =	simm.s32 $0x0;
	[smem:$0x7FF] =	sst s2;
	s14 =	smul.u32 $0xA0, s13  }
0x7: {  	s5 =	sadd.s32 $0x16800, s9;
	s10 =	ssub.s32 $0x2, s7;
	s7 =	smul.u32 $0xC8000, s13  }
0x8: {  	s6 =	sadd.s32 $0xC96800, s9;
	s15 =	sshrl.u32 s10, $0x1;
	s16 =	smul.u32 $0x50, s13  }
0x9: {  	s8 =	sadd.s32 $0xFB6800, s9;
	s15 =	ssub.s32 s10, s15;
	s10 =	smul.u32 $0x32000, s13  }
0xa: {  	_ =	strace $0x8000004A;
	s4 =	sshll.u32 s13, $0x1;
	s17 =	smul.u32 $0x28, s13  }
0xb: {  	s12 =	sadd.s32 s4, s9;
	s4 =	sadd.s32 $0x6C00, s9;
	s11 =	sadd.s32 s3, s9  }
0xc: {  	s3 =	smul.u32 $0x320000, s13;
	s9 =	sadd.s32 $0x107E800, s9;
	s12 =	sadd.s32 $0x16600, s12  }
0xd: {  	v3 =	vlaneseq.u32;
	v0 =	vmov s14;
	s13 =	smul.u32 $0xC800, s13;
	s14 =	smax.u32 s15, $0x1;
	s15 =	simm.s32 $0x1  }
0xe: {  	v4 =	vimm.f32 $1.000000000e+00;
	v1 =	vmov s16;
	v2 =	vmov s17;
	s16 =	simm.s32 $0x1680;
	s17 =	simm.s32 $0x1700;
	s11 =	sadd.s32 $0x10C00, s11  }
.LBB2_1:
0xf: {  	[tilespmem:s2], [sflag:$0x1] =	stream.linear.gather [hbm4b:s11+s2], $0x1680, $0x38;
	[tilespmem:$0xB780] =	vst v63  }
0x10: {  	_ =	swait.ge [sflag:s15], $0x1680  }
0x11: {  	[sflag:s15] =	ssyncset.done $0x0  }
0x12: {  	[sflag:s15] =	ssyncadd.s32 $0xFFFFE980  }
0x13: {  	[tilespmem:s16], [sflag:$0x1] =	stream.linear.gather [hbm4b:s12+s2], $0x10, $0x38;
	[tilespmem:$0xB780] =	vst v63  }
0x14: {  	_ =	swait.ge [sflag:s15], $0x10  }
0x15: {  	[sflag:s15] =	ssyncset.done $0x0  }
0x16: {  	[sflag:s15] =	ssyncadd.s32 $0xFFFFFFF0  }
0x17: {  	s20 =	simm.s32 $0x0;
	v5 =	vld.msk [tilespmem:$0x1680 ss:$0x0], $0xffff  }
.LBB2_2:
0x18: {  	s19 =	simm.s32 $0x0  }
0x19: {  	[tilespmem:s17], [sflag:$0x1] =	stream.linear.gather [hbm4b:s4+s19], $0xA000, $0x38;
	[tilespmem:$0xB780] =	vst v63  }
0x1a: {  	_ =	swait.ge [sflag:s15], $0xA000  }
0x1b: {  	[sflag:s15] =	ssyncset.done $0x0  }
0x1c: {  	s21 =	sshll.u32 s20, $0x2;
	[sflag:s15] =	ssyncadd.s32 $0xFFFF6000  }
0x1d: {  	s22 =	simm.s32 $0x0;
	v6 =	vmov s21;
	s21 =	simm.s32 $0x10;
	v7 =	vld [tilespmem:s19+$0x0]  }
.LBB2_3:
0x1e: {  	p0 =	sne.s32 s21, $0x1670;
	_ =	sdelay $0x3  }
0x1f: {  	v8 =	vand.u32 $0x1FF, v7  }
0x20: {  	v8 =	vsub.s32 v8, v6  }
0x21: {  	v9 =	vor.u32 s19, v3;
	s19 =	smov.u32 s21;
	v10 =	vmul.u32 $0x2800, v8  }
0x22: {  	vm0 =	vlt.s32 v9, v5;
	v7 =	vshra.s32 v7, $0x9;
	vm1 =	vlt.u32 v8, $0x4  }
0x23: {  	vm0 =	vmand vm0, vm1;
	v7 =	vadd.s32 v7, v10  }
0x24: {  	v7 =	vnsel vm0, $0xA000, v7;
	_ =	sdelay $0x1  }
.Ltmp0:
0x25: {  	(pc) =	sbr.rel @p0 .LBB2_3-.Ltmp0, $3  }
0x26: {  	_ =	sdelay $0x1  }
0x27: {  	s22 =	sadd.s32 $0x10, s22;
	[tilespmem:v7+s17+$0x0] =	vst.idx.add.f32.msk $0xffff, v4  }
0x28: {  	s21 =	sadd.s32 $0x10, s21;
	v7 =	vld [tilespmem:s22+$0x0]  }
0x29: {  	_ =	sdelay $0x3  }
0x2a: {  	v8 =	vand.u32 $0x1FF, v7  }
0x2b: {  	v6 =	vsub.s32 v8, v6  }
0x2c: {  	v63 =	vor.u32 s19, v3;
	v9 =	vmul.u32 $0x2800, v6  }
0x2d: {  	vm0 =	vlt.s32 v63, v5;
	v7 =	vshra.s32 v7, $0x9;
	vm1 =	vlt.u32 v6, $0x4  }
0x2e: {  	vm0 =	vmand vm0, vm1;
	v6 =	vadd.s32 v7, v9  }
0x2f: {  	v6 =	vnsel vm0, $0xA000, v6  }
0x30: {  	s31 =	smul.u32 $0xA000, s20;
	_ =	sdelay $0x1  }
0x31: {  	s20 =	sadd.s32 $0x1, s20;
	s19 =	sadd.s32 s3, s31  }
0x32: {  	p0 =	sne.s32 s20, $0x50;
	s19 =	sshrl.u32 s19, $0x3  }
.Ltmp1:
0x33: {  	s21 =	sadd.s32 s5, s19;
	s19 =	simm.s32 $0x0;
	[tilespmem:v6+s17+$0x0] =	vst.idx.add.f32.msk $0xffff, v4;
	(pc) =	sbr.rel @p0 .LBB2_2-.Ltmp1, $4  }
0x34: {  	[hbm4b:s21+s19] =	stream.linear.scatter [tilespmem:s17], [sflag:$0x1], $0xA000, $0x38;
	[tilespmem:$0xB780] =	vst v63  }
0x35: {  	_ =	swait.ge [sflag:s15], $0xA000  }
0x36: {  	[sflag:s15] =	ssyncset.done $0x0  }
0x37: {  	[sflag:s15] =	ssyncadd.s32 $0xFFFF6000  }
0x38: {  	s21 =	simm.s32 $0x0  }
.LBB2_6:
0x39: {  	[tilespmem:s17], [sflag:$0x1] =	stream.linear.gather [hbm4b:s4+s19], $0xA000, $0x38;
	[tilespmem:$0xB780] =	vst v63  }
0x3a: {  	_ =	swait.ge [sflag:s15], $0xA000  }
0x3b: {  	[sflag:s15] =	ssyncset.done $0x0  }
0x3c: {  	s20 =	sshll.u32 s21, $0x3;
	[sflag:s15] =	ssyncadd.s32 $0xFFFF6000  }
0x3d: {  	s22 =	simm.s32 $0x0;
	s23 =	simm.s32 $0x0;
	v6 =	vmov s20;
	s20 =	simm.s32 $0x10;
	v7 =	vld [tilespmem:s19+$0x0]  }
.LBB2_7:
0x3e: {  	p0 =	sne.s32 s20, $0x1670;
	_ =	sdelay $0x3  }
0x3f: {  	v8 =	vshrl.u32 v7, $0x1  }
0x40: {  	v9 =	vor.u32 s22, v3;
	s22 =	smov.u32 s20;
	v8 =	vand.u32 $0xFF, v8  }
0x41: {  	v7 =	vshra.s32 v7, $0xA;
	v10 =	vadd.s32 v0, v8;
	v8 =	vsub.s32 v8, v6  }
0x42: {  	vm0 =	vlt.s32 v9, v5;
	vm1 =	vne.s32 v7, v10;
	v9 =	vmul.u32 $0x1400, v8  }
0x43: {  	vm0 =	vmand vm0, vm1;
	vm1 =	vlt.u32 v8, $0x8  }
0x44: {  	vm0 =	vmand vm1, vm0;
	v7 =	vadd.s32 v7, v9  }
0x45: {  	v7 =	vnsel vm0, $0xA000, v7;
	_ =	sdelay $0x1  }
.Ltmp2:
0x46: {  	(pc) =	sbr.rel @p0 .LBB2_7-.Ltmp2, $3  }
0x47: {  	_ =	sdelay $0x1  }
0x48: {  	s23 =	sadd.s32 $0x10, s23;
	[tilespmem:v7+s17+$0x0] =	vst.idx.add.f32.msk $0xffff, v4  }
0x49: {  	s20 =	sadd.s32 $0x10, s20;
	v7 =	vld [tilespmem:s23+$0x0]  }
0x4a: {  	_ =	sdelay $0x3  }
0x4b: {  	v8 =	vshrl.u32 v7, $0x1  }
0x4c: {  	v9 =	vor.u32 s22, v3;
	v8 =	vand.u32 $0xFF, v8  }
0x4d: {  	v7 =	vshra.s32 v7, $0xA;
	v10 =	vadd.s32 v0, v8;
	v6 =	vsub.s32 v8, v6  }
0x4e: {  	vm0 =	vlt.s32 v9, v5;
	vm1 =	vne.s32 v7, v10;
	v8 =	vmul.u32 $0x1400, v6  }
0x4f: {  	vm15 =	vlt.u32 v6, $0x8;
	vm0 =	vmand vm0, vm1  }
0x50: {  	vm0 =	vmand vm15, vm0;
	v6 =	vadd.s32 v7, v8  }
0x51: {  	v6 =	vnsel vm0, $0xA000, v6  }
0x52: {  	s20 =	smul.u32 $0xA000, s21;
	_ =	sdelay $0x1  }
0x53: {  	s21 =	sadd.s32 $0x1, s21;
	s20 =	sadd.s32 s7, s20  }
0x54: {  	p0 =	sne.s32 s21, $0x14;
	s20 =	sshrl.u32 s20, $0x3  }
.Ltmp3:
0x55: {  	s31 =	sadd.s32 s6, s20;
	s20 =	simm.s32 $0x0;
	[tilespmem:v6+s17+$0x0] =	vst.idx.add.f32.msk $0xffff, v4;
	(pc) =	sbr.rel @p0 .LBB2_6-.Ltmp3, $4  }
0x56: {  	[hbm4b:s31+s20] =	stream.linear.scatter [tilespmem:s17], [sflag:$0x1], $0xA000, $0x38;
	[tilespmem:$0xB780] =	vst v63  }
0x57: {  	_ =	swait.ge [sflag:s15], $0xA000  }
0x58: {  	[sflag:s15] =	ssyncset.done $0x0  }
0x59: {  	[sflag:s15] =	ssyncadd.s32 $0xFFFF6000  }
0x5a: {  	s21 =	simm.s32 $0x0  }
.LBB2_10:
0x5b: {  	[tilespmem:s17], [sflag:$0x1] =	stream.linear.gather [hbm4b:s4+s20], $0xA000, $0x38;
	[tilespmem:$0xB780] =	vst v63  }
0x5c: {  	_ =	swait.ge [sflag:s15], $0xA000  }
0x5d: {  	[sflag:s15] =	ssyncset.done $0x0  }
0x5e: {  	s19 =	sshll.u32 s21, $0x4;
	[sflag:s15] =	ssyncadd.s32 $0xFFFF6000  }
0x5f: {  	s22 =	simm.s32 $0x0;
	s23 =	simm.s32 $0x0;
	v6 =	vmov s19;
	s19 =	simm.s32 $0x10;
	v7 =	vld [tilespmem:s20+$0x0]  }
.LBB2_11:
0x60: {  	p0 =	sne.s32 s19, $0x1670;
	_ =	sdelay $0x3  }
0x61: {  	v8 =	vor.u32 s22, v3;
	s22 =	smov.u32 s19;
	v9 =	vand.u32 $0x1FF, v7  }
0x62: {  	v10 =	vshra.s32 v7, $0xA;
	v11 =	vshrl.u32 v9, $0x1;
	v9 =	vshrl.u32 v9, $0x2  }
0x63: {  	v7 =	vshra.s32 v7, $0xB;
	v11 =	vadd.s32 v0, v11;
	v12 =	vadd.s32 v1, v9  }
0x64: {  	v9 =	vsub.s32 v9, v6;
	vm0 =	vne.s32 v10, v11;
	vm1 =	vne.s32 v7, v12  }
0x65: {  	vm2 =	vlt.s32 v8, v5;
	v8 =	vmul.u32 $0xA00, v9;
	vm0 =	vmand vm0, vm1  }
0x66: {  	vm1 =	vlt.u32 v9, $0x10;
	vm0 =	vmand vm0, vm2  }
0x67: {  	v7 =	vadd.s32 v7, v8;
	vm0 =	vmand vm1, vm0  }
0x68: {  	v7 =	vnsel vm0, $0xA000, v7;
	_ =	sdelay $0x1  }
.Ltmp4:
0x69: {  	(pc) =	sbr.rel @p0 .LBB2_11-.Ltmp4, $3  }
0x6a: {  	_ =	sdelay $0x1  }
0x6b: {  	s23 =	sadd.s32 $0x10, s23;
	[tilespmem:v7+s17+$0x0] =	vst.idx.add.f32.msk $0xffff, v4  }
0x6c: {  	s19 =	sadd.s32 $0x10, s19;
	v7 =	vld [tilespmem:s23+$0x0]  }
0x6d: {  	_ =	sdelay $0x3  }
0x6e: {  	v8 =	vor.u32 s22, v3;
	v9 =	vand.u32 $0x1FF, v7  }
0x6f: {  	v10 =	vshra.s32 v7, $0xA;
	v11 =	vshrl.u32 v9, $0x1;
	v9 =	vshrl.u32 v9, $0x2  }
0x70: {  	v7 =	vshra.s32 v7, $0xB;
	v11 =	vadd.s32 v0, v11;
	v12 =	vadd.s32 v1, v9  }
0x71: {  	v6 =	vsub.s32 v9, v6;
	vm0 =	vne.s32 v10, v11;
	vm1 =	vne.s32 v7, v12  }
0x72: {  	vm2 =	vlt.s32 v8, v5;
	v63 =	vmul.u32 $0xA00, v6;
	vm0 =	vmand vm0, vm1  }
0x73: {  	vm15 =	vlt.u32 v6, $0x10;
	vm0 =	vmand vm0, vm2  }
0x74: {  	v6 =	vadd.s32 v7, v63;
	vm0 =	vmand vm15, vm0  }
0x75: {  	v6 =	vnsel vm0, $0xA000, v6  }
0x76: {  	s19 =	smul.u32 $0xA000, s21;
	_ =	sdelay $0x1  }
0x77: {  	s21 =	sadd.s32 $0x1, s21;
	s19 =	sadd.s32 s10, s19  }
0x78: {  	p0 =	sne.s32 s21, $0x5;
	s19 =	sshrl.u32 s19, $0x3  }
.Ltmp5:
0x79: {  	s31 =	sadd.s32 s8, s19;
	s19 =	simm.s32 $0x0;
	[tilespmem:v6+s17+$0x0] =	vst.idx.add.f32.msk $0xffff, v4;
	(pc) =	sbr.rel @p0 .LBB2_10-.Ltmp5, $4  }
0x7a: {  	[hbm4b:s31+s19] =	stream.linear.scatter [tilespmem:s17], [sflag:$0x1], $0xA000, $0x38;
	[tilespmem:$0xB780] =	vst v63  }
0x7b: {  	_ =	swait.ge [sflag:s15], $0xA000  }
0x7c: {  	[sflag:s15] =	ssyncset.done $0x0  }
0x7d: {  	[sflag:s15] =	ssyncadd.s32 $0xFFFF6000  }
0x7e: {  	p1 =	por $0x1, $0x1;
	s20 =	simm.s32 $0x0  }
.LBB2_14:
0x7f: {  	[tilespmem:s17], [sflag:$0x1] =	stream.linear.gather [hbm4b:s4+s19], $0x6400, $0x38;
	[tilespmem:$0xB780] =	vst v63  }
0x80: {  	_ =	swait.ge [sflag:s15], $0x6400  }
0x81: {  	s21 =	smul.u32 $0xFFFFFFEC, s20;
	[sflag:s15] =	ssyncset.done $0x0  }
0x82: {  	p0 =	por p1, p1;
	[sflag:s15] =	ssyncadd.s32 $0xFFFF9C00  }
0x83: {  	s22 =	simm.s32 $0x0;
	s23 =	simm.s32 $0x0;
	v6 =	vmov s21;
	s21 =	simm.s32 $0x10;
	v7 =	vld [tilespmem:s19+$0x0]  }
.LBB2_15:
0x84: {  	p1 =	sne.s32 s21, $0x1670;
	_ =	sdelay $0x2  }
0x85: {  	v8 =	vor.u32 s22, v3;
	s22 =	smov.u32 s21  }
0x86: {  	vm0 =	vlt.s32 v8, v5;
	v8 =	vand.u32 $0x1FF, v7;
	v9 =	vshra.s32 v7, $0xC  }
0x87: {  	v10 =	vshra.s32 v7, $0xA;
	v11 =	vshrl.u32 v8, $0x1;
	v12 =	vshrl.u32 v8, $0x2  }
0x88: {  	v7 =	vshra.s32 v7, $0xB;
	v11 =	vadd.s32 v0, v11;
	v12 =	vadd.s32 v1, v12  }
0x89: {  	vm1 =	vne.s32 v10, v11;
	vm2 =	vne.s32 v7, v12;
	v7 =	vshrl.u32 v8, $0x3  }
0x8a: {  	vm1 =	vmand vm1, vm2;
	v8 =	vadd.s32 v2, v7;
	v7 =	vadd.s32 v6, v7  }
0x8b: {  	vm0 =	vmand vm1, vm0;
	vm1 =	vne.s32 v9, v8;
	v8 =	vmul.u32 $0x500, v7  }
0x8c: {  	vm0 =	vmand vm1, vm0;
	vm1 =	vlt.u32 v7, $0x14  }
0x8d: {  	vm0 =	vmand vm1, vm0;
	v7 =	vadd.s32 v9, v8  }
0x8e: {  	v7 =	vnsel vm0, $0xA000, v7;
	_ =	sdelay $0x1  }
.Ltmp6:
0x8f: {  	(pc) =	sbr.rel @p1 .LBB2_15-.Ltmp6, $3  }
0x90: {  	_ =	sdelay $0x1  }
0x91: {  	s23 =	sadd.s32 $0x10, s23;
	[tilespmem:v7+s17+$0x0] =	vst.idx.add.f32.msk $0xffff, v4  }
0x92: {  	s21 =	sadd.s32 $0x10, s21;
	v7 =	vld [tilespmem:s23+$0x0]  }
0x93: {  	_ =	sdelay $0x2  }
0x94: {  	v8 =	vor.u32 s22, v3  }
0x95: {  	vm0 =	vlt.s32 v8, v5;
	v63 =	vand.u32 $0x1FF, v7;
	v9 =	vshra.s32 v7, $0xC  }
0x96: {  	v10 =	vshra.s32 v7, $0xA;
	v11 =	vshrl.u32 v63, $0x1;
	v12 =	vshrl.u32 v63, $0x2  }
0x97: {  	v7 =	vshra.s32 v7, $0xB;
	v11 =	vadd.s32 v0, v11;
	v12 =	vadd.s32 v1, v12  }
0x98: {  	vm1 =	vne.s32 v10, v11;
	vm2 =	vne.s32 v7, v12;
	v7 =	vshrl.u32 v63, $0x3  }
0x99: {  	vm1 =	vmand vm1, vm2;
	v8 =	vadd.s32 v2, v7;
	v6 =	vadd.s32 v6, v7  }
0x9a: {  	vm0 =	vmand vm1, vm0;
	vm14 =	vne.s32 v9, v8;
	v7 =	vmul.u32 $0x500, v6  }
0x9b: {  	vm15 =	vlt.u32 v6, $0x14;
	vm0 =	vmand vm14, vm0  }
0x9c: {  	vm0 =	vmand vm15, vm0;
	v6 =	vadd.s32 v9, v7  }
0x9d: {  	v6 =	vnsel vm0, $0xA000, v6  }
0x9e: {  	s20 =	smul.u32 $0x6400, s20;
	_ =	sdelay $0x1  }
0x9f: {  	s20 =	sadd.s32 s13, s20  }
0xa0: {  	s20 =	sshrl.u32 s20, $0x3  }
0xa1: {  	s20 =	sadd.s32 s9, s20;
	[tilespmem:v6+s17+$0x0] =	vst.idx.add.f32.msk $0xffff, v4  }
0xa2: {  	[hbm4b:s20+s2] =	stream.linear.scatter [tilespmem:s17], [sflag:$0x1], $0x6400, $0x38;
	[tilespmem:$0xB780] =	vst v63  }
.Ltmp7:
0xa3: {  	_ = 	snop;
	(pc) =	sbr.rel @p0 .LBB2_14-.Ltmp7, $4  }
0xa4: {  	s20 =	simm.s32 $0x1  }
0xa5: {  	_ =	swait.ge [sflag:s20], $0x6400  }
0xa6: {  	[sflag:s20] =	ssyncset.done $0x0  }
0xa7: {  	p1 =	por $0x0, $0x0;
	[sflag:s20] =	ssyncadd.s32 $0xFFFF9C00  }
0xa8: {  	s18 =	sadd.s32 $0x1, s18  }
0xa9: {  	p0 =	sne.s32 s18, s14  }
.Ltmp8:
0xaa: {  	_ = 	snop;
	(pc) =	sbr.rel @p0 .LBB2_1-.Ltmp8, $1  }
0xab: {  	_ =	sdelay $0x3  }
0xac: {  	_ =	sfence.sel $0x180000  }
0xad: {  	[bflag:$0x0] =	sbarrier.arrive $0xFFFF  }
0xae: {  	p0 =	sne.s32 s1, $0x0;
	_ =	strace $0x9000004A  }
0xaf: {  	s0 =	sadd.s32 @!p0 $0x100000, s0;
	[bflag:$0x2] =	sbarrier.arrive $0xFFFF  }
0xb0: {  	[sflag:s0] =	ssyncadd.tile.s32 @!p0 $0x1;
	_ =	shalt  }
.Lfunc_end2:
_tile_overlayer_lowered:
.L_overlay_start_2:
0xb1: {  	(tag) =	ssettag $0x2  }
0xb2: {  	s0 =	rddreg [dreg:$0x0];
	s2 =	stileid.u32  }
0xb3: {  	s1 =	rddreg [dreg:$0x1];
	p0 =	sne.s32 s2, $0x0  }
0xb4: {  	s3 =	rddreg [dreg:$0x2];
	[bflag:$0x3] =	sbarrier.arrive $0xFFFF;
	s2 =	simm.s32 @!p0 $0x1C01  }
0xb5: {  	[timem:s3], [sflag:s2] =	dma.local @!p0 [hbm:s0], s1  }
0xb6: {  	s0 =	simm.s32 @!p0 $0x1  }
0xb7: {  	_ =	swait.ge @!p0 [sflag:s0], s1  }
0xb8: {  	s1 =	ssub.s32 @!p0 $0x0, s1;
	[sflag:s0] =	ssyncset.done @!p0 $0x0  }
0xb9: {  	[sflag:s0] =	ssyncadd.s32 @!p0 s1  }
0xba: {  	[bflag:$0x3] =	sbarrier.arrive $0xFFFF  }
0xbb: {  	_ =	shalt  }

</sc_bundles>
